<compile_context>
chip_gen: v7x
topology: tpu7x:2x2x1
jax: 0.10.2.dev20260603
libtpu: 0.0.44.dev20260713+nightly
codegen_flags: <defaults>
</compile_context>

<pallas_src>
import functools

import jax
import jax.numpy as jnp
import numpy as np
from jax import lax
from jax.experimental import pallas as pl
from jax.experimental.pallas import tpu as pltpu
from jax.experimental.pallas import tpu_sc as plsc

N = 10000
E = 320000
D = 128
G = 128
OUT = 10

NC = 2
NS = 16
NW = NC * NS

N_PAD = 10240
AGG_ROWS = N_PAD + 8
CH = 128
S0 = 87
S1 = 70
BASE0 = NS * S0 * CH
E_PAD = NS * (S0 + S1) * CH
SMAX = max(S0, S1)
ZPS = N_PAD // NS

GP = G + 8
RPW = N_PAD // NW
PCH = 64
PSTEPS = RPW // PCH

_BN_INV = float(1.0 / np.sqrt(1.0 + 1e-5))

_mesh = plsc.VectorSubcoreMesh(core_axis_name="c", subcore_axis_name="s")


def _zero_rows(ref, nrows):
    z16 = jnp.zeros((16,), jnp.float32)
    w = ref.shape[1]

    @pl.loop(0, nrows)
    def _(r):
        @pl.loop(0, w // 16)
        def _(j):
            ref[r, pl.ds(j * 16, 16)] = z16


@functools.partial(
    pl.kernel,
    out_type=jax.ShapeDtypeStruct((NC * N_PAD, D), jnp.float32),
    mesh=_mesh,
    scratch_types=[
        pltpu.VMEM((CH,), jnp.int32),
        pltpu.VMEM((CH,), jnp.int32),
        pltpu.VMEM((CH, D), jnp.float32),
        pltpu.VMEM_SHARED((AGG_ROWS, D), jnp.float32),
        pltpu.SemaphoreType.DMA,
    ],
)
def _sc_segsum(h_hbm, src_hbm, dst_hbm, out_hbm, src_v, dst_v, rows_v, agg_sh,
               sem):
    c = lax.axis_index("c")
    s = lax.axis_index("s")

    _zero_rows(rows_v, CH)

    @pl.loop(0, ZPS // CH)
    def _(i):
        pltpu.sync_copy(rows_v, agg_sh.at[pl.ds(s * ZPS + i * CH, CH)])

    plsc.subcore_barrier()

    nst = jnp.where(c == 0, S0, S1)
    base = jnp.where(c == 0, s * (S0 * CH), BASE0 + s * (S1 * CH))

    @pl.loop(0, SMAX)
    def _(t):
        @pl.when(t < nst)
        def _():
            off = base + t * CH
            pltpu.sync_copy(src_hbm.at[pl.ds(off, CH)], src_v)
            pltpu.sync_copy(dst_hbm.at[pl.ds(off, CH)], dst_v)
            pltpu.async_copy(h_hbm.at[src_v], rows_v, sem).wait()
            pltpu.sync_copy(rows_v, agg_sh.at[dst_v], add=True)

    plsc.subcore_barrier()
    pltpu.sync_copy(
        agg_sh.at[pl.ds(s * ZPS, ZPS)],
        out_hbm.at[pl.ds(c * N_PAD + s * ZPS, ZPS)],
    )


@functools.partial(
    pl.kernel,
    out_type=jax.ShapeDtypeStruct((NC * G, D), jnp.float32),
    mesh=_mesh,
    scratch_types=[
        pltpu.VMEM((PCH,), jnp.int32),
        pltpu.VMEM((PCH, D), jnp.float32),
        pltpu.VMEM_SHARED((GP, D), jnp.float32),
    ],
)
def _sc_pool(h_hbm, batch_hbm, out_hbm, bidx_v, rows_v, pool_sh):
    c = lax.axis_index("c")
    s = lax.axis_index("s")
    wid = c * NS + s

    _zero_rows(rows_v, 8)
    pltpu.sync_copy(rows_v.at[pl.ds(0, 8)], pool_sh.at[pl.ds(s * 8, 8)])
    plsc.subcore_barrier()

    rbase = wid * RPW

    @pl.loop(0, PSTEPS)
    def _(t):
        off = pl.multiple_of(rbase + t * PCH, PCH)
        pltpu.sync_copy(h_hbm.at[pl.ds(off, PCH)], rows_v)
        pltpu.sync_copy(batch_hbm.at[pl.ds(off, PCH)], bidx_v)
        pltpu.sync_copy(rows_v, pool_sh.at[bidx_v], add=True)

    plsc.subcore_barrier()
    pltpu.sync_copy(
        pool_sh.at[pl.ds(s * 8, 8)],
        out_hbm.at[pl.ds(c * G + s * 8, 8)],
    )


BLK = 1024
NB = N_PAD // BLK


def _dense_body(h_ref, p0_ref, p1_ref, w1_ref, b1_ref, g_ref, be_ref, w2_ref,
                b2_ref, o_ref):
    z = h_ref[...] + p0_ref[...] + p1_ref[...]
    z = jnp.dot(z, w1_ref[...], preferred_element_type=jnp.float32) + b1_ref[...]
    z = z * (g_ref[...] * _BN_INV) + be_ref[...]
    z = jnp.maximum(z, 0.0)
    z = jnp.dot(z, w2_ref[...], preferred_element_type=jnp.float32) + b2_ref[...]
    o_ref[...] = jnp.maximum(z, 0.0)


def _tc_dense(h, parts, W1, b1, gamma, beta, W2, b2):
    vspec = pl.BlockSpec((1, D), lambda i: (0, 0))
    wspec = pl.BlockSpec((D, D), lambda i: (0, 0))
    return pl.pallas_call(
        _dense_body,
        grid=(NB,),
        in_specs=[
            pl.BlockSpec((BLK, D), lambda i: (i, 0)),
            pl.BlockSpec((BLK, D), lambda i: (i, 0)),
            pl.BlockSpec((BLK, D), lambda i: (i + NB, 0)),
            wspec, vspec, vspec, vspec, wspec, vspec,
        ],
        out_specs=pl.BlockSpec((BLK, D), lambda i: (i, 0)),
        out_shape=jax.ShapeDtypeStruct((N_PAD, D), jnp.float32),
    )(h, parts, parts, W1, b1.reshape(1, D), gamma.reshape(1, D),
      beta.reshape(1, D), W2, b2.reshape(1, D))


def _head_body(p_ref, w1_ref, b1_ref, w2_ref, b2_ref, o_ref):
    z = p_ref[pl.ds(0, G), :] + p_ref[pl.ds(G, G), :]
    z = jnp.dot(z, w1_ref[...], preferred_element_type=jnp.float32) + b1_ref[...]
    z = jnp.maximum(z, 0.0)
    o_ref[...] = jnp.dot(z, w2_ref[...], preferred_element_type=jnp.float32) + b2_ref[...]


def _tc_head(pparts, W1, b1, W2, b2):
    return pl.pallas_call(
        _head_body,
        out_shape=jax.ShapeDtypeStruct((G, OUT), jnp.float32),
    )(pparts, W1, b1.reshape(1, D), W2, b2.reshape(1, OUT))


def kernel(x, edge_index, batch, conv0_W1, conv0_b1, conv0_gamma, conv0_beta,
           conv0_W2, conv0_b2, conv1_W1, conv1_b1, conv1_gamma, conv1_beta,
           conv1_W2, conv1_b2, conv2_W1, conv2_b1, conv2_gamma, conv2_beta,
           conv2_W2, conv2_b2, mlp_W1, mlp_b1, mlp_W2, mlp_b2):
    src = edge_index[0].astype(jnp.int32)
    dst = edge_index[1].astype(jnp.int32)
    srcp = jnp.pad(src, (0, E_PAD - E))
    dstp = jnp.pad(dst, (0, E_PAD - E), constant_values=N_PAD)
    batchp = jnp.pad(batch.astype(jnp.int32), (0, N_PAD - N), constant_values=G)
    h = jnp.pad(x, ((0, N_PAD - N), (0, 0)))

    layers = (
        (conv0_W1, conv0_b1, conv0_gamma, conv0_beta, conv0_W2, conv0_b2),
        (conv1_W1, conv1_b1, conv1_gamma, conv1_beta, conv1_W2, conv1_b2),
        (conv2_W1, conv2_b1, conv2_gamma, conv2_beta, conv2_W2, conv2_b2),
    )
    for (W1, b1, gamma, beta, W2, b2) in layers:
        parts = _sc_segsum(h, srcp, dstp)
        h = _tc_dense(h, parts, W1, b1, gamma, beta, W2, b2)

    pparts = _sc_pool(h, batchp)
    return _tc_head(pparts, mlp_W1, mlp_b1, mlp_W2, mlp_b2)

# --- scband reference (transcript-rebuilt; emitter-appended) ---
"""Pipeline reference for scband-net-987842478551 (READ-ONLY COPY).

The authoritative reference and input builder live on the scoring server;
editing this copy changes nothing except your own understanding.
"""

import jax, jax.numpy as jnp
import numpy as np

N = 10000
E = 320000
D = 128
H = 128
OUT = 10
G = 128


def setup_inputs(seed: int = 0):
    key = jax.random.key(seed)
    ks = jax.random.split(key, 16)
    inp = {}
    inp['x'] = jax.random.normal(ks[0], (N, D), dtype=jnp.float32)
    inp['edge_index'] = jax.random.randint(ks[1], (2, E), 0, N)
    inp['batch'] = jnp.sort(jax.random.randint(ks[2], (N,), 0, G))
    dims = [(D, H), (H, H), (H, H)]
    k = 3
    for i, (din, dh) in enumerate(dims):
        inp['conv%d_W1' % i] = jax.random.normal(ks[k], (din, dh), dtype=jnp.float32) * 0.05
        k += 1
        inp['conv%d_b1' % i] = jnp.zeros((dh,), dtype=jnp.float32)
        inp['conv%d_gamma' % i] = jnp.ones((dh,), dtype=jnp.float32)
        inp['conv%d_beta' % i] = jnp.zeros((dh,), dtype=jnp.float32)
        inp['conv%d_W2' % i] = jax.random.normal(ks[k], (dh, dh), dtype=jnp.float32) * 0.05
        k += 1
        inp['conv%d_b2' % i] = jnp.zeros((dh,), dtype=jnp.float32)
    inp['mlp_W1'] = jax.random.normal(ks[k], (H, H), dtype=jnp.float32) * 0.05
    k += 1
    inp['mlp_b1'] = jnp.zeros((H,), dtype=jnp.float32)
    inp['mlp_W2'] = jax.random.normal(ks[k], (H, OUT), dtype=jnp.float32) * 0.05
    inp['mlp_b2'] = jnp.zeros((OUT,), dtype=jnp.float32)
    return inp


def reference(x, edge_index, batch, conv0_W1, conv0_b1, conv0_gamma, conv0_beta, conv0_W2, conv0_b2, conv1_W1, conv1_b1, conv1_gamma, conv1_beta, conv1_W2, conv1_b2, conv2_W1, conv2_b1, conv2_gamma, conv2_beta, conv2_W2, conv2_b2, mlp_W1, mlp_b1, mlp_W2, mlp_b2):
    src = edge_index[0]
    dst = edge_index[1]
    bn_eps = 1e-5

    def gin_layer(h, W1, b1, gamma, beta, W2, b2):
        # GINConv with eps=0: h_i' = MLP(h_i + sum_{j->i} h_j)
        agg = jax.ops.segment_sum(h[src], dst, num_segments=N)
        z = h + agg
        # MLP([in, hidden, hidden]): Linear -> BatchNorm(eval) -> ReLU -> Linear
        z = z @ W1 + b1
        z = (z - 0.0) / jnp.sqrt(1.0 + bn_eps) * gamma + beta
        z = jax.nn.relu(z)
        z = z @ W2 + b2
        # outer .relu() in Net.forward
        return jax.nn.relu(z)

    h = gin_layer(x, conv0_W1, conv0_b1, conv0_gamma, conv0_beta, conv0_W2, conv0_b2)
    h = gin_layer(h, conv1_W1, conv1_b1, conv1_gamma, conv1_beta, conv1_W2, conv1_b2)
    h = gin_layer(h, conv2_W1, conv2_b1, conv2_gamma, conv2_beta, conv2_W2, conv2_b2)
    # global_add_pool
    pooled = jax.ops.segment_sum(h, batch, num_segments=G)
    # final MLP([hidden, hidden, out], norm=None, dropout=0.5) in eval mode (dropout=identity)
    z = jax.nn.relu(pooled @ mlp_W1 + mlp_b1)
    out = z @ mlp_W2 + mlp_b2
    return out

if __name__ == "__main__":
    import jax
    _d = setup_inputs()
    print(jax.jit(kernel)(*tuple(_d.values())))

</pallas_src>

<mosaic_0001>
#map = affine_map<(d0, d1) -> (0, 0)>
#map1 = affine_map<(d0, d1) -> (0)>
module attributes {stable_mosaic.version = 14 : i64} {
  func.func @_sc_segsum(%arg0: i32, %arg1: i32, %arg2: memref<10240x128xf32, #tpu.memory_space<hbm>>, %arg3: memref<321536xi32, #tpu.memory_space<hbm>>, %arg4: memref<321536xi32, #tpu.memory_space<hbm>>, %arg5: memref<20480x128xf32, #tpu.memory_space<hbm>>, %arg6: memref<128xi32, #tpu.memory_space<vmem>>, %arg7: memref<128xi32, #tpu.memory_space<vmem>>, %arg8: memref<128x128xf32, #tpu.memory_space<vmem>>, %arg9: memref<10248x128xf32, #tpu.memory_space<vmem_shared>>, %arg10: memref<!tpu.dma_semaphore, #tpu.memory_space<semaphore_mem>>) attributes {dimension_semantics = [#tpu.dimension_semantics<core_parallel>, #tpu.dimension_semantics<subcore_parallel>], iteration_bounds = array<i64: 2, 16>, scalar_prefetch = 0 : i64, scratch_operands = 5 : i64, tpu.core_type = #tpu.core_type<sc_vector_subcore>, window_params = [{transform_indices = #map}, {transform_indices = #map1}, {transform_indices = #map1}, {transform_indices = #map}]} {
    %broadcast_in_dim3A = arith.constant 0.000000e+00 : f32
    %broadcast_in_dim3A_0 = vector.broadcast %broadcast_in_dim3A : f32 to vector<16xf32>
    %scan3A = arith.constant 0 : i32
    %scan3A_1 = arith.constant 128 : i32
    %scan3A_2 = arith.addi %scan3A, %scan3A_1 : i32
    %scan3A_3 = arith.constant 1 : i32
    scf.for %scan3A_32 = %scan3A to %scan3A_2 step %scan3A_3  : i32 {
      %mul3A_33 = arith.constant 1 : i32
      %mul3A_34 = arith.muli %scan3A_32, %mul3A_33 : i32
      %add3A_35 = arith.constant 0 : i32
      %add3A_36 = arith.addi %add3A_35, %mul3A_34 : i32
      %scan3A_37 = arith.constant 0 : i32
      %scan3A_38 = arith.constant 8 : i32
      %scan3A_39 = arith.addi %scan3A_37, %scan3A_38 : i32
      %scan3A_40 = arith.constant 1 : i32
      scf.for %scan3A_42 = %scan3A_37 to %scan3A_39 step %scan3A_40  : i32 {
        %mul3A_43 = arith.constant 1 : i32
        %mul3A_44 = arith.muli %scan3A_42, %mul3A_43 : i32
        %add3A_45 = arith.constant 0 : i32
        %add3A_46 = arith.addi %add3A_45, %mul3A_44 : i32
        %mul3A_47 = arith.constant 16 : i32
        %mul3A_48 = arith.muli %add3A_46, %mul3A_47 : i32
        %swap3A = arith.index_cast %add3A_36 : i32 to index
        %swap3A_49 = arith.index_cast %mul3A_48 : i32 to index
        %swap3A_50 = tpu.vector_load %arg8[%swap3A, %swap3A_49] {strides = array<i32>} : memref<128x128xf32, #tpu.memory_space<vmem>>, vector<1x16xf32>,
        %swap3A_51 = vector.shape_cast %swap3A_50 : vector<1x16xf32> to vector<16xf32>
        %swap3A_52 = vector.shape_cast %broadcast_in_dim3A_0 : vector<16xf32> to vector<1x16xf32>
        tpu.vector_store %arg8[%swap3A, %swap3A_49], %swap3A_52 {strides = array<i32>} : memref<128x128xf32, #tpu.memory_space<vmem>>, vector<1x16xf32>,
      }
      %scan3A_41 = arith.constant 8 : i32
    }
    %scan3A_4 = arith.constant 128 : i32
    %scan3A_5 = arith.constant 0 : i32
    %scan3A_6 = arith.constant 5 : i32
    %scan3A_7 = arith.addi %scan3A_5, %scan3A_6 : i32
    %scan3A_8 = arith.constant 1 : i32
    scf.for %scan3A_32 = %scan3A_5 to %scan3A_7 step %scan3A_8  : i32 {
      %mul3A_33 = arith.constant 1 : i32
      %mul3A_34 = arith.muli %scan3A_32, %mul3A_33 : i32
      %add3A_35 = arith.constant 0 : i32
      %add3A_36 = arith.addi %add3A_35, %mul3A_34 : i32
      %mul3A_37 = arith.constant 640 : i32
      %mul3A_38 = arith.muli %arg1, %mul3A_37 : i32
      %mul3A_39 = arith.constant 128 : i32
      %mul3A_40 = arith.muli %add3A_36, %mul3A_39 : i32
      %add3A_41 = arith.addi %mul3A_38, %mul3A_40 : i32
      "tpu.region"() ({
        %run_scoped3A = tpu.sem_alloc : memref<!tpu.dma_semaphore, #tpu.memory_space<semaphore_mem>>
        %dma_start3A = arith.constant 0 : i32
        %dma_start3A_42 = tpu.memref_slice %arg9[%add3A_41, %dma_start3A] : memref<10248x128xf32, #tpu.memory_space<vmem_shared>> -> memref<128x128xf32, #tpu.memory_space<vmem_shared>>
        %dma_start3A_43 = arith.constant 0 : i32
        %dma_start3A_44 = tpu.memref_slice %arg9[%add3A_41, %dma_start3A_43] : memref<10248x128xf32, #tpu.memory_space<vmem_shared>> -> memref<128x128xf32, #tpu.memory_space<vmem_shared>>
        tpu.enqueue_dma source(%arg8 : memref<128x128xf32, #tpu.memory_space<vmem>>) target(%dma_start3A_44 : memref<128x128xf32, #tpu.memory_space<vmem_shared>>) target_semaphore(%run_scoped3A : memref<!tpu.dma_semaphore, #tpu.memory_space<semaphore_mem>>)
        %dma_wait3A = arith.constant 0 : i32
        %dma_wait3A_45 = tpu.memref_slice %arg9[%add3A_41, %dma_wait3A] : memref<10248x128xf32, #tpu.memory_space<vmem_shared>> -> memref<128x128xf32, #tpu.memory_space<vmem_shared>>
        %dma_wait3A_46 = arith.constant 0 : i32
        %dma_wait3A_47 = tpu.memref_slice %arg9[%add3A_41, %dma_wait3A_46] : memref<10248x128xf32, #tpu.memory_space<vmem_shared>> -> memref<128x128xf32, #tpu.memory_space<vmem_shared>>
        tpu.wait_dma2 semaphore(%run_scoped3A : memref<!tpu.dma_semaphore, #tpu.memory_space<semaphore_mem>>) src(%arg8 : memref<128x128xf32, #tpu.memory_space<vmem>>) dst(%dma_wait3A_47 : memref<128x128xf32, #tpu.memory_space<vmem_shared>>)
        tpu.yield
      }) : () -> ()
    }
    %scan3A_9 = arith.constant 5 : i32
    %barrier3A = arith.constant 0 : index
    tpu.barrier barrier_id(%barrier3A)
    %eq3A = arith.constant 0 : i32
    %eq3A_10 = arith.cmpi eq, %arg0, %eq3A : i32
    %jit3A = arith.constant 87 : i32
    %jit3A_11 = arith.constant 70 : i32
    %select_n3A = arith.select %eq3A_10, %jit3A, %jit3A_11 : i32
    %eq3A_12 = arith.constant 0 : i32
    %eq3A_13 = arith.cmpi eq, %arg0, %eq3A_12 : i32
    %mul3A = arith.constant 11136 : i32
    %mul3A_14 = arith.muli %arg1, %mul3A : i32
    %mul3A_15 = arith.constant 8960 : i32
    %mul3A_16 = arith.muli %arg1, %mul3A_15 : i32
    %add3A = arith.constant 178176 : i32
    %add3A_17 = arith.addi %add3A, %mul3A_16 : i32
    %select_n3A_18 = arith.select %eq3A_13, %mul3A_14, %add3A_17 : i32
    %scan3A_19 = arith.constant 0 : i32
    %scan3A_20 = arith.constant 87 : i32
    %scan3A_21 = arith.addi %scan3A_19, %scan3A_20 : i32
    %scan3A_22 = arith.constant 1 : i32
    scf.for %scan3A_32 = %scan3A_19 to %scan3A_21 step %scan3A_22  : i32 {
      %mul3A_33 = arith.constant 1 : i32
      %mul3A_34 = arith.muli %scan3A_32, %mul3A_33 : i32
      %add3A_35 = arith.constant 0 : i32
      %add3A_36 = arith.addi %add3A_35, %mul3A_34 : i32
      %lt3A = arith.cmpi slt, %add3A_36, %select_n3A : i32
      %convert_element_type3A = arith.extui %lt3A : i1 to i32
      %cond3A = arith.constant 0 : i32
      %cond3A_37 = arith.cmpi ne, %convert_element_type3A, %cond3A : i32
      scf.if %cond3A_37 {
        %mul3A_38 = arith.constant 128 : i32
        %mul3A_39 = arith.muli %add3A_36, %mul3A_38 : i32
        %add3A_40 = arith.addi %select_n3A_18, %mul3A_39 : i32
        "tpu.region"() ({
          %run_scoped3A = tpu.sem_alloc : memref<!tpu.dma_semaphore, #tpu.memory_space<semaphore_mem>>
          %dma_start3A_45 = tpu.memref_slice %arg3[%add3A_40] : memref<321536xi32, #tpu.memory_space<hbm>> -> memref<128xi32, #tpu.memory_space<hbm>>
          %dma_start3A_46 = tpu.memref_slice %arg3[%add3A_40] : memref<321536xi32, #tpu.memory_space<hbm>> -> memref<128xi32, #tpu.memory_space<hbm>>
          tpu.enqueue_dma source(%dma_start3A_46 : memref<128xi32, #tpu.memory_space<hbm>>) target(%arg6 : memref<128xi32, #tpu.memory_space<vmem>>) target_semaphore(%run_scoped3A : memref<!tpu.dma_semaphore, #tpu.memory_space<semaphore_mem>>)
          %dma_wait3A_47 = tpu.memref_slice %arg3[%add3A_40] : memref<321536xi32, #tpu.memory_space<hbm>> -> memref<128xi32, #tpu.memory_space<hbm>>
          %dma_wait3A_48 = tpu.memref_slice %arg3[%add3A_40] : memref<321536xi32, #tpu.memory_space<hbm>> -> memref<128xi32, #tpu.memory_space<hbm>>
          tpu.wait_dma2 semaphore(%run_scoped3A : memref<!tpu.dma_semaphore, #tpu.memory_space<semaphore_mem>>) src(%dma_wait3A_48 : memref<128xi32, #tpu.memory_space<hbm>>) dst(%arg6 : memref<128xi32, #tpu.memory_space<vmem>>)
          tpu.yield
        }) : () -> ()
        "tpu.region"() ({
          %run_scoped3A = tpu.sem_alloc : memref<!tpu.dma_semaphore, #tpu.memory_space<semaphore_mem>>
          %dma_start3A_45 = tpu.memref_slice %arg4[%add3A_40] : memref<321536xi32, #tpu.memory_space<hbm>> -> memref<128xi32, #tpu.memory_space<hbm>>
          %dma_start3A_46 = tpu.memref_slice %arg4[%add3A_40] : memref<321536xi32, #tpu.memory_space<hbm>> -> memref<128xi32, #tpu.memory_space<hbm>>
          tpu.enqueue_dma source(%dma_start3A_46 : memref<128xi32, #tpu.memory_space<hbm>>) target(%arg7 : memref<128xi32, #tpu.memory_space<vmem>>) target_semaphore(%run_scoped3A : memref<!tpu.dma_semaphore, #tpu.memory_space<semaphore_mem>>)
          %dma_wait3A_47 = tpu.memref_slice %arg4[%add3A_40] : memref<321536xi32, #tpu.memory_space<hbm>> -> memref<128xi32, #tpu.memory_space<hbm>>
          %dma_wait3A_48 = tpu.memref_slice %arg4[%add3A_40] : memref<321536xi32, #tpu.memory_space<hbm>> -> memref<128xi32, #tpu.memory_space<hbm>>
          tpu.wait_dma2 semaphore(%run_scoped3A : memref<!tpu.dma_semaphore, #tpu.memory_space<semaphore_mem>>) src(%dma_wait3A_48 : memref<128xi32, #tpu.memory_space<hbm>>) dst(%arg7 : memref<128xi32, #tpu.memory_space<vmem>>)
          tpu.yield
        }) : () -> ()
        %dma_start3A = arith.constant 0 : i32
        %dma_start3A_41 = arith.constant 0 : i32
        %dma_start3A_42 = tpu.memref_slice %arg2[%dma_start3A, %dma_start3A_41] : memref<10240x128xf32, #tpu.memory_space<hbm>> -> memref<10240x128xf32, #tpu.memory_space<hbm>>
        tpu.enqueue_indirect_dma source(%dma_start3A_42 : memref<10240x128xf32, #tpu.memory_space<hbm>>) target(%arg8 : memref<128x128xf32, #tpu.memory_space<vmem>>) offsets(%arg6 : memref<128xi32, #tpu.memory_space<vmem>>) semaphore(%arg10 : memref<!tpu.dma_semaphore, #tpu.memory_space<semaphore_mem>>)
        %dma_wait3A = arith.constant 0 : i32
        %dma_wait3A_43 = arith.constant 0 : i32
        %dma_wait3A_44 = tpu.memref_slice %arg2[%dma_wait3A, %dma_wait3A_43] : memref<10240x128xf32, #tpu.memory_space<hbm>> -> memref<10240x128xf32, #tpu.memory_space<hbm>>
        tpu.wait_indirect_dma semaphore(%arg10 : memref<!tpu.dma_semaphore, #tpu.memory_space<semaphore_mem>>) src(%dma_wait3A_44 : memref<10240x128xf32, #tpu.memory_space<hbm>>) dst(%arg8 : memref<128x128xf32, #tpu.memory_space<vmem>>)
        "tpu.region"() ({
          %run_scoped3A = tpu.sem_alloc : memref<!tpu.dma_semaphore, #tpu.memory_space<semaphore_mem>>
          %dma_start3A_45 = arith.constant 0 : i32
          %dma_start3A_46 = arith.constant 0 : i32
          %dma_start3A_47 = tpu.memref_slice %arg9[%dma_start3A_45, %dma_start3A_46] : memref<10248x128xf32, #tpu.memory_space<vmem_shared>> -> memref<10248x128xf32, #tpu.memory_space<vmem_shared>>
          tpu.enqueue_indirect_dma source(%arg8 : memref<128x128xf32, #tpu.memory_space<vmem>>) target(%dma_start3A_47 : memref<10248x128xf32, #tpu.memory_space<vmem_shared>>) offsets(%arg7 : memref<128xi32, #tpu.memory_space<vmem>>) semaphore(%run_scoped3A : memref<!tpu.dma_semaphore, #tpu.memory_space<semaphore_mem>>) {add = true}
          %dma_wait3A_48 = arith.constant 0 : i32
          %dma_wait3A_49 = arith.constant 0 : i32
          %dma_wait3A_50 = tpu.memref_slice %arg9[%dma_wait3A_48, %dma_wait3A_49] : memref<10248x128xf32, #tpu.memory_space<vmem_shared>> -> memref<10248x128xf32, #tpu.memory_space<vmem_shared>>
          tpu.wait_indirect_dma semaphore(%run_scoped3A : memref<!tpu.dma_semaphore, #tpu.memory_space<semaphore_mem>>) src(%arg8 : memref<128x128xf32, #tpu.memory_space<vmem>>) dst(%dma_wait3A_50 : memref<10248x128xf32, #tpu.memory_space<vmem_shared>>)
          tpu.yield
        }) : () -> ()
      } else {
      }
    }
    %scan3A_23 = arith.constant 87 : i32
    %barrier3A_24 = arith.constant 0 : index
    tpu.barrier barrier_id(%barrier3A_24)
    %mul3A_25 = arith.constant 640 : i32
    %mul3A_26 = arith.muli %arg1, %mul3A_25 : i32
    %mul3A_27 = arith.constant 10240 : i32
    %mul3A_28 = arith.muli %arg0, %mul3A_27 : i32
    %mul3A_29 = arith.constant 640 : i32
    %mul3A_30 = arith.muli %arg1, %mul3A_29 : i32
    %add3A_31 = arith.addi %mul3A_28, %mul3A_30 : i32
    "tpu.region"() ({
      %run_scoped3A = tpu.sem_alloc : memref<!tpu.dma_semaphore, #tpu.memory_space<semaphore_mem>>
      %dma_start3A = arith.constant 0 : i32
      %dma_start3A_32 = tpu.memref_slice %arg5[%add3A_31, %dma_start3A] : memref<20480x128xf32, #tpu.memory_space<hbm>> -> memref<640x128xf32, #tpu.memory_space<hbm>>
      %dma_start3A_33 = arith.constant 0 : i32
      %dma_start3A_34 = tpu.memref_slice %arg9[%mul3A_26, %dma_start3A_33] : memref<10248x128xf32, #tpu.memory_space<vmem_shared>> -> memref<640x128xf32, #tpu.memory_space<vmem_shared>>
      tpu.enqueue_dma source(%dma_start3A_34 : memref<640x128xf32, #tpu.memory_space<vmem_shared>>) target(%dma_start3A_32 : memref<640x128xf32, #tpu.memory_space<hbm>>) target_semaphore(%run_scoped3A : memref<!tpu.dma_semaphore, #tpu.memory_space<semaphore_mem>>)
      %dma_wait3A = arith.constant 0 : i32
      %dma_wait3A_35 = tpu.memref_slice %arg5[%add3A_31, %dma_wait3A] : memref<20480x128xf32, #tpu.memory_space<hbm>> -> memref<640x128xf32, #tpu.memory_space<hbm>>
      %dma_wait3A_36 = arith.constant 0 : i32
      %dma_wait3A_37 = tpu.memref_slice %arg9[%mul3A_26, %dma_wait3A_36] : memref<10248x128xf32, #tpu.memory_space<vmem_shared>> -> memref<640x128xf32, #tpu.memory_space<vmem_shared>>
      tpu.wait_dma2 semaphore(%run_scoped3A : memref<!tpu.dma_semaphore, #tpu.memory_space<semaphore_mem>>) src(%dma_wait3A_37 : memref<640x128xf32, #tpu.memory_space<vmem_shared>>) dst(%dma_wait3A_35 : memref<640x128xf32, #tpu.memory_space<hbm>>)
      tpu.yield
    }) : () -> ()
    return
  }
}

#map = affine_map<(d0, d1) -> (0, 0)>
#map1 = affine_map<(d0, d1) -> (0)>
module attributes {stable_mosaic.version = 14 : i64} {
  func.func @_sc_segsum(%arg0: i32, %arg1: i32, %arg2: memref<10240x128xf32, #tpu.memory_space<hbm>>, %arg3: memref<321536xi32, #tpu.memory_space<hbm>>, %arg4: memref<321536xi32, #tpu.memory_space<hbm>>, %arg5: memref<20480x128xf32, #tpu.memory_space<hbm>>, %arg6: memref<128xi32, #tpu.memory_space<vmem>>, %arg7: memref<128xi32, #tpu.memory_space<vmem>>, %arg8: memref<128x128xf32, #tpu.memory_space<vmem>>, %arg9: memref<10248x128xf32, #tpu.memory_space<vmem_shared>>, %arg10: memref<!tpu.dma_semaphore, #tpu.memory_space<semaphore_mem>>) attributes {dimension_semantics = [#tpu.dimension_semantics<core_parallel>, #tpu.dimension_semantics<subcore_parallel>], iteration_bounds = array<i64: 2, 16>, scalar_prefetch = 0 : i64, scratch_operands = 5 : i64, tpu.core_type = #tpu.core_type<sc_vector_subcore>, window_params = [{transform_indices = #map}, {transform_indices = #map1}, {transform_indices = #map1}, {transform_indices = #map}]} {
    %broadcast_in_dim3A = arith.constant 0.000000e+00 : f32
    %broadcast_in_dim3A_0 = vector.broadcast %broadcast_in_dim3A : f32 to vector<16xf32>
    %scan3A = arith.constant 0 : i32
    %scan3A_1 = arith.constant 128 : i32
    %scan3A_2 = arith.addi %scan3A, %scan3A_1 : i32
    %scan3A_3 = arith.constant 1 : i32
    scf.for %scan3A_32 = %scan3A to %scan3A_2 step %scan3A_3  : i32 {
      %mul3A_33 = arith.constant 1 : i32
      %mul3A_34 = arith.muli %scan3A_32, %mul3A_33 : i32
      %add3A_35 = arith.constant 0 : i32
      %add3A_36 = arith.addi %add3A_35, %mul3A_34 : i32
      %scan3A_37 = arith.constant 0 : i32
      %scan3A_38 = arith.constant 8 : i32
      %scan3A_39 = arith.addi %scan3A_37, %scan3A_38 : i32
      %scan3A_40 = arith.constant 1 : i32
      scf.for %scan3A_42 = %scan3A_37 to %scan3A_39 step %scan3A_40  : i32 {
        %mul3A_43 = arith.constant 1 : i32
        %mul3A_44 = arith.muli %scan3A_42, %mul3A_43 : i32
        %add3A_45 = arith.constant 0 : i32
        %add3A_46 = arith.addi %add3A_45, %mul3A_44 : i32
        %mul3A_47 = arith.constant 16 : i32
        %mul3A_48 = arith.muli %add3A_46, %mul3A_47 : i32
        %swap3A = arith.index_cast %add3A_36 : i32 to index
        %swap3A_49 = arith.index_cast %mul3A_48 : i32 to index
        %swap3A_50 = tpu.vector_load %arg8[%swap3A, %swap3A_49] {strides = array<i32>} : memref<128x128xf32, #tpu.memory_space<vmem>>, vector<1x16xf32>,
        %swap3A_51 = vector.shape_cast %swap3A_50 : vector<1x16xf32> to vector<16xf32>
        %swap3A_52 = vector.shape_cast %broadcast_in_dim3A_0 : vector<16xf32> to vector<1x16xf32>
        tpu.vector_store %arg8[%swap3A, %swap3A_49], %swap3A_52 {strides = array<i32>} : memref<128x128xf32, #tpu.memory_space<vmem>>, vector<1x16xf32>,
      }
      %scan3A_41 = arith.constant 8 : i32
    }
    %scan3A_4 = arith.constant 128 : i32
    %scan3A_5 = arith.constant 0 : i32
    %scan3A_6 = arith.constant 5 : i32
    %scan3A_7 = arith.addi %scan3A_5, %scan3A_6 : i32
    %scan3A_8 = arith.constant 1 : i32
    scf.for %scan3A_32 = %scan3A_5 to %scan3A_7 step %scan3A_8  : i32 {
      %mul3A_33 = arith.constant 1 : i32
      %mul3A_34 = arith.muli %scan3A_32, %mul3A_33 : i32
      %add3A_35 = arith.constant 0 : i32
      %add3A_36 = arith.addi %add3A_35, %mul3A_34 : i32
      %mul3A_37 = arith.constant 640 : i32
      %mul3A_38 = arith.muli %arg1, %mul3A_37 : i32
      %mul3A_39 = arith.constant 128 : i32
      %mul3A_40 = arith.muli %add3A_36, %mul3A_39 : i32
      %add3A_41 = arith.addi %mul3A_38, %mul3A_40 : i32
      "tpu.region"() ({
        %run_scoped3A = tpu.sem_alloc : memref<!tpu.dma_semaphore, #tpu.memory_space<semaphore_mem>>
        %dma_start3A = arith.constant 0 : i32
        %dma_start3A_42 = tpu.memref_slice %arg9[%add3A_41, %dma_start3A] : memref<10248x128xf32, #tpu.memory_space<vmem_shared>> -> memref<128x128xf32, #tpu.memory_space<vmem_shared>>
        %dma_start3A_43 = arith.constant 0 : i32
        %dma_start3A_44 = tpu.memref_slice %arg9[%add3A_41, %dma_start3A_43] : memref<10248x128xf32, #tpu.memory_space<vmem_shared>> -> memref<128x128xf32, #tpu.memory_space<vmem_shared>>
        tpu.enqueue_dma source(%arg8 : memref<128x128xf32, #tpu.memory_space<vmem>>) target(%dma_start3A_44 : memref<128x128xf32, #tpu.memory_space<vmem_shared>>) target_semaphore(%run_scoped3A : memref<!tpu.dma_semaphore, #tpu.memory_space<semaphore_mem>>)
        %dma_wait3A = arith.constant 0 : i32
        %dma_wait3A_45 = tpu.memref_slice %arg9[%add3A_41, %dma_wait3A] : memref<10248x128xf32, #tpu.memory_space<vmem_shared>> -> memref<128x128xf32, #tpu.memory_space<vmem_shared>>
        %dma_wait3A_46 = arith.constant 0 : i32
        %dma_wait3A_47 = tpu.memref_slice %arg9[%add3A_41, %dma_wait3A_46] : memref<10248x128xf32, #tpu.memory_space<vmem_shared>> -> memref<128x128xf32, #tpu.memory_space<vmem_shared>>
        tpu.wait_dma2 semaphore(%run_scoped3A : memref<!tpu.dma_semaphore, #tpu.memory_space<semaphore_mem>>) src(%arg8 : memref<128x128xf32, #tpu.memory_space<vmem>>) dst(%dma_wait3A_47 : memref<128x128xf32, #tpu.memory_space<vmem_shared>>)
        tpu.yield
      }) : () -> ()
    }
    %scan3A_9 = arith.constant 5 : i32
    %barrier3A = arith.constant 0 : index
    tpu.barrier barrier_id(%barrier3A)
    %eq3A = arith.constant 0 : i32
    %eq3A_10 = arith.cmpi eq, %arg0, %eq3A : i32
    %jit3A = arith.constant 87 : i32
    %jit3A_11 = arith.constant 70 : i32
    %select_n3A = arith.select %eq3A_10, %jit3A, %jit3A_11 : i32
    %eq3A_12 = arith.constant 0 : i32
    %eq3A_13 = arith.cmpi eq, %arg0, %eq3A_12 : i32
    %mul3A = arith.constant 11136 : i32
    %mul3A_14 = arith.muli %arg1, %mul3A : i32
    %mul3A_15 = arith.constant 8960 : i32
    %mul3A_16 = arith.muli %arg1, %mul3A_15 : i32
    %add3A = arith.constant 178176 : i32
    %add3A_17 = arith.addi %add3A, %mul3A_16 : i32
    %select_n3A_18 = arith.select %eq3A_13, %mul3A_14, %add3A_17 : i32
    %scan3A_19 = arith.constant 0 : i32
    %scan3A_20 = arith.constant 87 : i32
    %scan3A_21 = arith.addi %scan3A_19, %scan3A_20 : i32
    %scan3A_22 = arith.constant 1 : i32
    scf.for %scan3A_32 = %scan3A_19 to %scan3A_21 step %scan3A_22  : i32 {
      %mul3A_33 = arith.constant 1 : i32
      %mul3A_34 = arith.muli %scan3A_32, %mul3A_33 : i32
      %add3A_35 = arith.constant 0 : i32
      %add3A_36 = arith.addi %add3A_35, %mul3A_34 : i32
      %lt3A = arith.cmpi slt, %add3A_36, %select_n3A : i32
      %convert_element_type3A = arith.extui %lt3A : i1 to i32
      %cond3A = arith.constant 0 : i32
      %cond3A_37 = arith.cmpi ne, %convert_element_type3A, %cond3A : i32
      scf.if %cond3A_37 {
        %mul3A_38 = arith.constant 128 : i32
        %mul3A_39 = arith.muli %add3A_36, %mul3A_38 : i32
        %add3A_40 = arith.addi %select_n3A_18, %mul3A_39 : i32
        "tpu.region"() ({
          %run_scoped3A = tpu.sem_alloc : memref<!tpu.dma_semaphore, #tpu.memory_space<semaphore_mem>>
          %dma_start3A_45 = tpu.memref_slice %arg3[%add3A_40] : memref<321536xi32, #tpu.memory_space<hbm>> -> memref<128xi32, #tpu.memory_space<hbm>>
          %dma_start3A_46 = tpu.memref_slice %arg3[%add3A_40] : memref<321536xi32, #tpu.memory_space<hbm>> -> memref<128xi32, #tpu.memory_space<hbm>>
          tpu.enqueue_dma source(%dma_start3A_46 : memref<128xi32, #tpu.memory_space<hbm>>) target(%arg6 : memref<128xi32, #tpu.memory_space<vmem>>) target_semaphore(%run_scoped3A : memref<!tpu.dma_semaphore, #tpu.memory_space<semaphore_mem>>)
          %dma_wait3A_47 = tpu.memref_slice %arg3[%add3A_40] : memref<321536xi32, #tpu.memory_space<hbm>> -> memref<128xi32, #tpu.memory_space<hbm>>
          %dma_wait3A_48 = tpu.memref_slice %arg3[%add3A_40] : memref<321536xi32, #tpu.memory_space<hbm>> -> memref<128xi32, #tpu.memory_space<hbm>>
          tpu.wait_dma2 semaphore(%run_scoped3A : memref<!tpu.dma_semaphore, #tpu.memory_space<semaphore_mem>>) src(%dma_wait3A_48 : memref<128xi32, #tpu.memory_space<hbm>>) dst(%arg6 : memref<128xi32, #tpu.memory_space<vmem>>)
          tpu.yield
        }) : () -> ()
        "tpu.region"() ({
          %run_scoped3A = tpu.sem_alloc : memref<!tpu.dma_semaphore, #tpu.memory_space<semaphore_mem>>
          %dma_start3A_45 = tpu.memref_slice %arg4[%add3A_40] : memref<321536xi32, #tpu.memory_space<hbm>> -> memref<128xi32, #tpu.memory_space<hbm>>
          %dma_start3A_46 = tpu.memref_slice %arg4[%add3A_40] : memref<321536xi32, #tpu.memory_space<hbm>> -> memref<128xi32, #tpu.memory_space<hbm>>
          tpu.enqueue_dma source(%dma_start3A_46 : memref<128xi32, #tpu.memory_space<hbm>>) target(%arg7 : memref<128xi32, #tpu.memory_space<vmem>>) target_semaphore(%run_scoped3A : memref<!tpu.dma_semaphore, #tpu.memory_space<semaphore_mem>>)
          %dma_wait3A_47 = tpu.memref_slice %arg4[%add3A_40] : memref<321536xi32, #tpu.memory_space<hbm>> -> memref<128xi32, #tpu.memory_space<hbm>>
          %dma_wait3A_48 = tpu.memref_slice %arg4[%add3A_40] : memref<321536xi32, #tpu.memory_space<hbm>> -> memref<128xi32, #tpu.memory_space<hbm>>
          tpu.wait_dma2 semaphore(%run_scoped3A : memref<!tpu.dma_semaphore, #tpu.memory_space<semaphore_mem>>) src(%dma_wait3A_48 : memref<128xi32, #tpu.memory_space<hbm>>) dst(%arg7 : memref<128xi32, #tpu.memory_space<vmem>>)
          tpu.yield
        }) : () -> ()
        %dma_start3A = arith.constant 0 : i32
        %dma_start3A_41 = arith.constant 0 : i32
        %dma_start3A_42 = tpu.memref_slice %arg2[%dma_start3A, %dma_start3A_41] : memref<10240x128xf32, #tpu.memory_space<hbm>> -> memref<10240x128xf32, #tpu.memory_space<hbm>>
        tpu.enqueue_indirect_dma source(%dma_start3A_42 : memref<10240x128xf32, #tpu.memory_space<hbm>>) target(%arg8 : memref<128x128xf32, #tpu.memory_space<vmem>>) offsets(%arg6 : memref<128xi32, #tpu.memory_space<vmem>>) semaphore(%arg10 : memref<!tpu.dma_semaphore, #tpu.memory_space<semaphore_mem>>)
        %dma_wait3A = arith.constant 0 : i32
        %dma_wait3A_43 = arith.constant 0 : i32
        %dma_wait3A_44 = tpu.memref_slice %arg2[%dma_wait3A, %dma_wait3A_43] : memref<10240x128xf32, #tpu.memory_space<hbm>> -> memref<10240x128xf32, #tpu.memory_space<hbm>>
        tpu.wait_indirect_dma semaphore(%arg10 : memref<!tpu.dma_semaphore, #tpu.memory_space<semaphore_mem>>) src(%dma_wait3A_44 : memref<10240x128xf32, #tpu.memory_space<hbm>>) dst(%arg8 : memref<128x128xf32, #tpu.memory_space<vmem>>)
        "tpu.region"() ({
          %run_scoped3A = tpu.sem_alloc : memref<!tpu.dma_semaphore, #tpu.memory_space<semaphore_mem>>
          %dma_start3A_45 = arith.constant 0 : i32
          %dma_start3A_46 = arith.constant 0 : i32
          %dma_start3A_47 = tpu.memref_slice %arg9[%dma_start3A_45, %dma_start3A_46] : memref<10248x128xf32, #tpu.memory_space<vmem_shared>> -> memref<10248x128xf32, #tpu.memory_space<vmem_shared>>
          tpu.enqueue_indirect_dma source(%arg8 : memref<128x128xf32, #tpu.memory_space<vmem>>) target(%dma_start3A_47 : memref<10248x128xf32, #tpu.memory_space<vmem_shared>>) offsets(%arg7 : memref<128xi32, #tpu.memory_space<vmem>>) semaphore(%run_scoped3A : memref<!tpu.dma_semaphore, #tpu.memory_space<semaphore_mem>>) {add = true}
          %dma_wait3A_48 = arith.constant 0 : i32
          %dma_wait3A_49 = arith.constant 0 : i32
          %dma_wait3A_50 = tpu.memref_slice %arg9[%dma_wait3A_48, %dma_wait3A_49] : memref<10248x128xf32, #tpu.memory_space<vmem_shared>> -> memref<10248x128xf32, #tpu.memory_space<vmem_shared>>
          tpu.wait_indirect_dma semaphore(%run_scoped3A : memref<!tpu.dma_semaphore, #tpu.memory_space<semaphore_mem>>) src(%arg8 : memref<128x128xf32, #tpu.memory_space<vmem>>) dst(%dma_wait3A_50 : memref<10248x128xf32, #tpu.memory_space<vmem_shared>>)
          tpu.yield
        }) : () -> ()
      } else {
      }
    }
    %scan3A_23 = arith.constant 87 : i32
    %barrier3A_24 = arith.constant 0 : index
    tpu.barrier barrier_id(%barrier3A_24)
    %mul3A_25 = arith.constant 640 : i32
    %mul3A_26 = arith.muli %arg1, %mul3A_25 : i32
    %mul3A_27 = arith.constant 10240 : i32
    %mul3A_28 = arith.muli %arg0, %mul3A_27 : i32
    %mul3A_29 = arith.constant 640 : i32
    %mul3A_30 = arith.muli %arg1, %mul3A_29 : i32
    %add3A_31 = arith.addi %mul3A_28, %mul3A_30 : i32
    "tpu.region"() ({
      %run_scoped3A = tpu.sem_alloc : memref<!tpu.dma_semaphore, #tpu.memory_space<semaphore_mem>>
      %dma_start3A = arith.constant 0 : i32
      %dma_start3A_32 = tpu.memref_slice %arg5[%add3A_31, %dma_start3A] : memref<20480x128xf32, #tpu.memory_space<hbm>> -> memref<640x128xf32, #tpu.memory_space<hbm>>
      %dma_start3A_33 = arith.constant 0 : i32
      %dma_start3A_34 = tpu.memref_slice %arg9[%mul3A_26, %dma_start3A_33] : memref<10248x128xf32, #tpu.memory_space<vmem_shared>> -> memref<640x128xf32, #tpu.memory_space<vmem_shared>>
      tpu.enqueue_dma source(%dma_start3A_34 : memref<640x128xf32, #tpu.memory_space<vmem_shared>>) target(%dma_start3A_32 : memref<640x128xf32, #tpu.memory_space<hbm>>) target_semaphore(%run_scoped3A : memref<!tpu.dma_semaphore, #tpu.memory_space<semaphore_mem>>)
      %dma_wait3A = arith.constant 0 : i32
      %dma_wait3A_35 = tpu.memref_slice %arg5[%add3A_31, %dma_wait3A] : memref<20480x128xf32, #tpu.memory_space<hbm>> -> memref<640x128xf32, #tpu.memory_space<hbm>>
      %dma_wait3A_36 = arith.constant 0 : i32
      %dma_wait3A_37 = tpu.memref_slice %arg9[%mul3A_26, %dma_wait3A_36] : memref<10248x128xf32, #tpu.memory_space<vmem_shared>> -> memref<640x128xf32, #tpu.memory_space<vmem_shared>>
      tpu.wait_dma2 semaphore(%run_scoped3A : memref<!tpu.dma_semaphore, #tpu.memory_space<semaphore_mem>>) src(%dma_wait3A_37 : memref<640x128xf32, #tpu.memory_space<vmem_shared>>) dst(%dma_wait3A_35 : memref<640x128xf32, #tpu.memory_space<hbm>>)
      tpu.yield
    }) : () -> ()
    return
  }
}

#map = affine_map<(d0, d1) -> (0, 0)>
#map1 = affine_map<(d0, d1) -> (0)>
module attributes {stable_mosaic.version = 14 : i64} {
  func.func @_sc_segsum(%arg0: i32, %arg1: i32, %arg2: memref<10240x128xf32, #tpu.memory_space<hbm>>, %arg3: memref<321536xi32, #tpu.memory_space<hbm>>, %arg4: memref<321536xi32, #tpu.memory_space<hbm>>, %arg5: memref<20480x128xf32, #tpu.memory_space<hbm>>, %arg6: memref<128xi32, #tpu.memory_space<vmem>>, %arg7: memref<128xi32, #tpu.memory_space<vmem>>, %arg8: memref<128x128xf32, #tpu.memory_space<vmem>>, %arg9: memref<10248x128xf32, #tpu.memory_space<vmem_shared>>, %arg10: memref<!tpu.dma_semaphore, #tpu.memory_space<semaphore_mem>>) attributes {dimension_semantics = [#tpu.dimension_semantics<core_parallel>, #tpu.dimension_semantics<subcore_parallel>], iteration_bounds = array<i64: 2, 16>, scalar_prefetch = 0 : i64, scratch_operands = 5 : i64, tpu.core_type = #tpu.core_type<sc_vector_subcore>, window_params = [{transform_indices = #map}, {transform_indices = #map1}, {transform_indices = #map1}, {transform_indices = #map}]} {
    %broadcast_in_dim3A = arith.constant 0.000000e+00 : f32
    %broadcast_in_dim3A_0 = vector.broadcast %broadcast_in_dim3A : f32 to vector<16xf32>
    %scan3A = arith.constant 0 : i32
    %scan3A_1 = arith.constant 128 : i32
    %scan3A_2 = arith.addi %scan3A, %scan3A_1 : i32
    %scan3A_3 = arith.constant 1 : i32
    scf.for %scan3A_32 = %scan3A to %scan3A_2 step %scan3A_3  : i32 {
      %mul3A_33 = arith.constant 1 : i32
      %mul3A_34 = arith.muli %scan3A_32, %mul3A_33 : i32
      %add3A_35 = arith.constant 0 : i32
      %add3A_36 = arith.addi %add3A_35, %mul3A_34 : i32
      %scan3A_37 = arith.constant 0 : i32
      %scan3A_38 = arith.constant 8 : i32
      %scan3A_39 = arith.addi %scan3A_37, %scan3A_38 : i32
      %scan3A_40 = arith.constant 1 : i32
      scf.for %scan3A_42 = %scan3A_37 to %scan3A_39 step %scan3A_40  : i32 {
        %mul3A_43 = arith.constant 1 : i32
        %mul3A_44 = arith.muli %scan3A_42, %mul3A_43 : i32
        %add3A_45 = arith.constant 0 : i32
        %add3A_46 = arith.addi %add3A_45, %mul3A_44 : i32
        %mul3A_47 = arith.constant 16 : i32
        %mul3A_48 = arith.muli %add3A_46, %mul3A_47 : i32
        %swap3A = arith.index_cast %add3A_36 : i32 to index
        %swap3A_49 = arith.index_cast %mul3A_48 : i32 to index
        %swap3A_50 = tpu.vector_load %arg8[%swap3A, %swap3A_49] {strides = array<i32>} : memref<128x128xf32, #tpu.memory_space<vmem>>, vector<1x16xf32>,
        %swap3A_51 = vector.shape_cast %swap3A_50 : vector<1x16xf32> to vector<16xf32>
        %swap3A_52 = vector.shape_cast %broadcast_in_dim3A_0 : vector<16xf32> to vector<1x16xf32>
        tpu.vector_store %arg8[%swap3A, %swap3A_49], %swap3A_52 {strides = array<i32>} : memref<128x128xf32, #tpu.memory_space<vmem>>, vector<1x16xf32>,
      }
      %scan3A_41 = arith.constant 8 : i32
    }
    %scan3A_4 = arith.constant 128 : i32
    %scan3A_5 = arith.constant 0 : i32
    %scan3A_6 = arith.constant 5 : i32
    %scan3A_7 = arith.addi %scan3A_5, %scan3A_6 : i32
    %scan3A_8 = arith.constant 1 : i32
    scf.for %scan3A_32 = %scan3A_5 to %scan3A_7 step %scan3A_8  : i32 {
      %mul3A_33 = arith.constant 1 : i32
      %mul3A_34 = arith.muli %scan3A_32, %mul3A_33 : i32
      %add3A_35 = arith.constant 0 : i32
      %add3A_36 = arith.addi %add3A_35, %mul3A_34 : i32
      %mul3A_37 = arith.constant 640 : i32
      %mul3A_38 = arith.muli %arg1, %mul3A_37 : i32
      %mul3A_39 = arith.constant 128 : i32
      %mul3A_40 = arith.muli %add3A_36, %mul3A_39 : i32
      %add3A_41 = arith.addi %mul3A_38, %mul3A_40 : i32
      "tpu.region"() ({
        %run_scoped3A = tpu.sem_alloc : memref<!tpu.dma_semaphore, #tpu.memory_space<semaphore_mem>>
        %dma_start3A = arith.constant 0 : i32
        %dma_start3A_42 = tpu.memref_slice %arg9[%add3A_41, %dma_start3A] : memref<10248x128xf32, #tpu.memory_space<vmem_shared>> -> memref<128x128xf32, #tpu.memory_space<vmem_shared>>
        %dma_start3A_43 = arith.constant 0 : i32
        %dma_start3A_44 = tpu.memref_slice %arg9[%add3A_41, %dma_start3A_43] : memref<10248x128xf32, #tpu.memory_space<vmem_shared>> -> memref<128x128xf32, #tpu.memory_space<vmem_shared>>
        tpu.enqueue_dma source(%arg8 : memref<128x128xf32, #tpu.memory_space<vmem>>) target(%dma_start3A_44 : memref<128x128xf32, #tpu.memory_space<vmem_shared>>) target_semaphore(%run_scoped3A : memref<!tpu.dma_semaphore, #tpu.memory_space<semaphore_mem>>)
        %dma_wait3A = arith.constant 0 : i32
        %dma_wait3A_45 = tpu.memref_slice %arg9[%add3A_41, %dma_wait3A] : memref<10248x128xf32, #tpu.memory_space<vmem_shared>> -> memref<128x128xf32, #tpu.memory_space<vmem_shared>>
        %dma_wait3A_46 = arith.constant 0 : i32
        %dma_wait3A_47 = tpu.memref_slice %arg9[%add3A_41, %dma_wait3A_46] : memref<10248x128xf32, #tpu.memory_space<vmem_shared>> -> memref<128x128xf32, #tpu.memory_space<vmem_shared>>
        tpu.wait_dma2 semaphore(%run_scoped3A : memref<!tpu.dma_semaphore, #tpu.memory_space<semaphore_mem>>) src(%arg8 : memref<128x128xf32, #tpu.memory_space<vmem>>) dst(%dma_wait3A_47 : memref<128x128xf32, #tpu.memory_space<vmem_shared>>)
        tpu.yield
      }) : () -> ()
    }
    %scan3A_9 = arith.constant 5 : i32
    %barrier3A = arith.constant 0 : index
    tpu.barrier barrier_id(%barrier3A)
    %eq3A = arith.constant 0 : i32
    %eq3A_10 = arith.cmpi eq, %arg0, %eq3A : i32
    %jit3A = arith.constant 87 : i32
    %jit3A_11 = arith.constant 70 : i32
    %select_n3A = arith.select %eq3A_10, %jit3A, %jit3A_11 : i32
    %eq3A_12 = arith.constant 0 : i32
    %eq3A_13 = arith.cmpi eq, %arg0, %eq3A_12 : i32
    %mul3A = arith.constant 11136 : i32
    %mul3A_14 = arith.muli %arg1, %mul3A : i32
    %mul3A_15 = arith.constant 8960 : i32
    %mul3A_16 = arith.muli %arg1, %mul3A_15 : i32
    %add3A = arith.constant 178176 : i32
    %add3A_17 = arith.addi %add3A, %mul3A_16 : i32
    %select_n3A_18 = arith.select %eq3A_13, %mul3A_14, %add3A_17 : i32
    %scan3A_19 = arith.constant 0 : i32
    %scan3A_20 = arith.constant 87 : i32
    %scan3A_21 = arith.addi %scan3A_19, %scan3A_20 : i32
    %scan3A_22 = arith.constant 1 : i32
    scf.for %scan3A_32 = %scan3A_19 to %scan3A_21 step %scan3A_22  : i32 {
      %mul3A_33 = arith.constant 1 : i32
      %mul3A_34 = arith.muli %scan3A_32, %mul3A_33 : i32
      %add3A_35 = arith.constant 0 : i32
      %add3A_36 = arith.addi %add3A_35, %mul3A_34 : i32
      %lt3A = arith.cmpi slt, %add3A_36, %select_n3A : i32
      %convert_element_type3A = arith.extui %lt3A : i1 to i32
      %cond3A = arith.constant 0 : i32
      %cond3A_37 = arith.cmpi ne, %convert_element_type3A, %cond3A : i32
      scf.if %cond3A_37 {
        %mul3A_38 = arith.constant 128 : i32
        %mul3A_39 = arith.muli %add3A_36, %mul3A_38 : i32
        %add3A_40 = arith.addi %select_n3A_18, %mul3A_39 : i32
        "tpu.region"() ({
          %run_scoped3A = tpu.sem_alloc : memref<!tpu.dma_semaphore, #tpu.memory_space<semaphore_mem>>
          %dma_start3A_45 = tpu.memref_slice %arg3[%add3A_40] : memref<321536xi32, #tpu.memory_space<hbm>> -> memref<128xi32, #tpu.memory_space<hbm>>
          %dma_start3A_46 = tpu.memref_slice %arg3[%add3A_40] : memref<321536xi32, #tpu.memory_space<hbm>> -> memref<128xi32, #tpu.memory_space<hbm>>
          tpu.enqueue_dma source(%dma_start3A_46 : memref<128xi32, #tpu.memory_space<hbm>>) target(%arg6 : memref<128xi32, #tpu.memory_space<vmem>>) target_semaphore(%run_scoped3A : memref<!tpu.dma_semaphore, #tpu.memory_space<semaphore_mem>>)
          %dma_wait3A_47 = tpu.memref_slice %arg3[%add3A_40] : memref<321536xi32, #tpu.memory_space<hbm>> -> memref<128xi32, #tpu.memory_space<hbm>>
          %dma_wait3A_48 = tpu.memref_slice %arg3[%add3A_40] : memref<321536xi32, #tpu.memory_space<hbm>> -> memref<128xi32, #tpu.memory_space<hbm>>
          tpu.wait_dma2 semaphore(%run_scoped3A : memref<!tpu.dma_semaphore, #tpu.memory_space<semaphore_mem>>) src(%dma_wait3A_48 : memref<128xi32, #tpu.memory_space<hbm>>) dst(%arg6 : memref<128xi32, #tpu.memory_space<vmem>>)
          tpu.yield
        }) : () -> ()
        "tpu.region"() ({
          %run_scoped3A = tpu.sem_alloc : memref<!tpu.dma_semaphore, #tpu.memory_space<semaphore_mem>>
          %dma_start3A_45 = tpu.memref_slice %arg4[%add3A_40] : memref<321536xi32, #tpu.memory_space<hbm>> -> memref<128xi32, #tpu.memory_space<hbm>>
          %dma_start3A_46 = tpu.memref_slice %arg4[%add3A_40] : memref<321536xi32, #tpu.memory_space<hbm>> -> memref<128xi32, #tpu.memory_space<hbm>>
          tpu.enqueue_dma source(%dma_start3A_46 : memref<128xi32, #tpu.memory_space<hbm>>) target(%arg7 : memref<128xi32, #tpu.memory_space<vmem>>) target_semaphore(%run_scoped3A : memref<!tpu.dma_semaphore, #tpu.memory_space<semaphore_mem>>)
          %dma_wait3A_47 = tpu.memref_slice %arg4[%add3A_40] : memref<321536xi32, #tpu.memory_space<hbm>> -> memref<128xi32, #tpu.memory_space<hbm>>
          %dma_wait3A_48 = tpu.memref_slice %arg4[%add3A_40] : memref<321536xi32, #tpu.memory_space<hbm>> -> memref<128xi32, #tpu.memory_space<hbm>>
          tpu.wait_dma2 semaphore(%run_scoped3A : memref<!tpu.dma_semaphore, #tpu.memory_space<semaphore_mem>>) src(%dma_wait3A_48 : memref<128xi32, #tpu.memory_space<hbm>>) dst(%arg7 : memref<128xi32, #tpu.memory_space<vmem>>)
          tpu.yield
        }) : () -> ()
        %dma_start3A = arith.constant 0 : i32
        %dma_start3A_41 = arith.constant 0 : i32
        %dma_start3A_42 = tpu.memref_slice %arg2[%dma_start3A, %dma_start3A_41] : memref<10240x128xf32, #tpu.memory_space<hbm>> -> memref<10240x128xf32, #tpu.memory_space<hbm>>
        tpu.enqueue_indirect_dma source(%dma_start3A_42 : memref<10240x128xf32, #tpu.memory_space<hbm>>) target(%arg8 : memref<128x128xf32, #tpu.memory_space<vmem>>) offsets(%arg6 : memref<128xi32, #tpu.memory_space<vmem>>) semaphore(%arg10 : memref<!tpu.dma_semaphore, #tpu.memory_space<semaphore_mem>>)
        %dma_wait3A = arith.constant 0 : i32
        %dma_wait3A_43 = arith.constant 0 : i32
        %dma_wait3A_44 = tpu.memref_slice %arg2[%dma_wait3A, %dma_wait3A_43] : memref<10240x128xf32, #tpu.memory_space<hbm>> -> memref<10240x128xf32, #tpu.memory_space<hbm>>
        tpu.wait_indirect_dma semaphore(%arg10 : memref<!tpu.dma_semaphore, #tpu.memory_space<semaphore_mem>>) src(%dma_wait3A_44 : memref<10240x128xf32, #tpu.memory_space<hbm>>) dst(%arg8 : memref<128x128xf32, #tpu.memory_space<vmem>>)
        "tpu.region"() ({
          %run_scoped3A = tpu.sem_alloc : memref<!tpu.dma_semaphore, #tpu.memory_space<semaphore_mem>>
          %dma_start3A_45 = arith.constant 0 : i32
          %dma_start3A_46 = arith.constant 0 : i32
          %dma_start3A_47 = tpu.memref_slice %arg9[%dma_start3A_45, %dma_start3A_46] : memref<10248x128xf32, #tpu.memory_space<vmem_shared>> -> memref<10248x128xf32, #tpu.memory_space<vmem_shared>>
          tpu.enqueue_indirect_dma source(%arg8 : memref<128x128xf32, #tpu.memory_space<vmem>>) target(%dma_start3A_47 : memref<10248x128xf32, #tpu.memory_space<vmem_shared>>) offsets(%arg7 : memref<128xi32, #tpu.memory_space<vmem>>) semaphore(%run_scoped3A : memref<!tpu.dma_semaphore, #tpu.memory_space<semaphore_mem>>) {add = true}
          %dma_wait3A_48 = arith.constant 0 : i32
          %dma_wait3A_49 = arith.constant 0 : i32
          %dma_wait3A_50 = tpu.memref_slice %arg9[%dma_wait3A_48, %dma_wait3A_49] : memref<10248x128xf32, #tpu.memory_space<vmem_shared>> -> memref<10248x128xf32, #tpu.memory_space<vmem_shared>>
          tpu.wait_indirect_dma semaphore(%run_scoped3A : memref<!tpu.dma_semaphore, #tpu.memory_space<semaphore_mem>>) src(%arg8 : memref<128x128xf32, #tpu.memory_space<vmem>>) dst(%dma_wait3A_50 : memref<10248x128xf32, #tpu.memory_space<vmem_shared>>)
          tpu.yield
        }) : () -> ()
      } else {
      }
    }
    %scan3A_23 = arith.constant 87 : i32
    %barrier3A_24 = arith.constant 0 : index
    tpu.barrier barrier_id(%barrier3A_24)
    %mul3A_25 = arith.constant 640 : i32
    %mul3A_26 = arith.muli %arg1, %mul3A_25 : i32
    %mul3A_27 = arith.constant 10240 : i32
    %mul3A_28 = arith.muli %arg0, %mul3A_27 : i32
    %mul3A_29 = arith.constant 640 : i32
    %mul3A_30 = arith.muli %arg1, %mul3A_29 : i32
    %add3A_31 = arith.addi %mul3A_28, %mul3A_30 : i32
    "tpu.region"() ({
      %run_scoped3A = tpu.sem_alloc : memref<!tpu.dma_semaphore, #tpu.memory_space<semaphore_mem>>
      %dma_start3A = arith.constant 0 : i32
      %dma_start3A_32 = tpu.memref_slice %arg5[%add3A_31, %dma_start3A] : memref<20480x128xf32, #tpu.memory_space<hbm>> -> memref<640x128xf32, #tpu.memory_space<hbm>>
      %dma_start3A_33 = arith.constant 0 : i32
      %dma_start3A_34 = tpu.memref_slice %arg9[%mul3A_26, %dma_start3A_33] : memref<10248x128xf32, #tpu.memory_space<vmem_shared>> -> memref<640x128xf32, #tpu.memory_space<vmem_shared>>
      tpu.enqueue_dma source(%dma_start3A_34 : memref<640x128xf32, #tpu.memory_space<vmem_shared>>) target(%dma_start3A_32 : memref<640x128xf32, #tpu.memory_space<hbm>>) target_semaphore(%run_scoped3A : memref<!tpu.dma_semaphore, #tpu.memory_space<semaphore_mem>>)
      %dma_wait3A = arith.constant 0 : i32
      %dma_wait3A_35 = tpu.memref_slice %arg5[%add3A_31, %dma_wait3A] : memref<20480x128xf32, #tpu.memory_space<hbm>> -> memref<640x128xf32, #tpu.memory_space<hbm>>
      %dma_wait3A_36 = arith.constant 0 : i32
      %dma_wait3A_37 = tpu.memref_slice %arg9[%mul3A_26, %dma_wait3A_36] : memref<10248x128xf32, #tpu.memory_space<vmem_shared>> -> memref<640x128xf32, #tpu.memory_space<vmem_shared>>
      tpu.wait_dma2 semaphore(%run_scoped3A : memref<!tpu.dma_semaphore, #tpu.memory_space<semaphore_mem>>) src(%dma_wait3A_37 : memref<640x128xf32, #tpu.memory_space<vmem_shared>>) dst(%dma_wait3A_35 : memref<640x128xf32, #tpu.memory_space<hbm>>)
      tpu.yield
    }) : () -> ()
    return
  }
}

#map = affine_map<(d0, d1) -> (0, 0)>
#map1 = affine_map<(d0, d1) -> (0)>
module attributes {stable_mosaic.version = 14 : i64} {
  func.func @_sc_pool(%arg0: i32, %arg1: i32, %arg2: memref<10240x128xf32, #tpu.memory_space<hbm>>, %arg3: memref<10240xi32, #tpu.memory_space<hbm>>, %arg4: memref<256x128xf32, #tpu.memory_space<hbm>>, %arg5: memref<64xi32, #tpu.memory_space<vmem>>, %arg6: memref<64x128xf32, #tpu.memory_space<vmem>>, %arg7: memref<136x128xf32, #tpu.memory_space<vmem_shared>>) attributes {dimension_semantics = [#tpu.dimension_semantics<core_parallel>, #tpu.dimension_semantics<subcore_parallel>], iteration_bounds = array<i64: 2, 16>, scalar_prefetch = 0 : i64, scratch_operands = 3 : i64, tpu.core_type = #tpu.core_type<sc_vector_subcore>, window_params = [{transform_indices = #map}, {transform_indices = #map1}, {transform_indices = #map}]} {
    %mul3A = arith.constant 16 : i32
    %mul3A_0 = arith.muli %arg0, %mul3A : i32
    %add3A = arith.addi %mul3A_0, %arg1 : i32
    %broadcast_in_dim3A = arith.constant 0.000000e+00 : f32
    %broadcast_in_dim3A_1 = vector.broadcast %broadcast_in_dim3A : f32 to vector<16xf32>
    %scan3A = arith.constant 0 : i32
    %scan3A_2 = arith.constant 8 : i32
    %scan3A_3 = arith.addi %scan3A, %scan3A_2 : i32
    %scan3A_4 = arith.constant 1 : i32
    scf.for %scan3A_23 = %scan3A to %scan3A_3 step %scan3A_4  : i32 {
      %mul3A_24 = arith.constant 1 : i32
      %mul3A_25 = arith.muli %scan3A_23, %mul3A_24 : i32
      %add3A_26 = arith.constant 0 : i32
      %add3A_27 = arith.addi %add3A_26, %mul3A_25 : i32
      %scan3A_28 = arith.constant 0 : i32
      %scan3A_29 = arith.constant 8 : i32
      %scan3A_30 = arith.addi %scan3A_28, %scan3A_29 : i32
      %scan3A_31 = arith.constant 1 : i32
      scf.for %scan3A_33 = %scan3A_28 to %scan3A_30 step %scan3A_31  : i32 {
        %mul3A_34 = arith.constant 1 : i32
        %mul3A_35 = arith.muli %scan3A_33, %mul3A_34 : i32
        %add3A_36 = arith.constant 0 : i32
        %add3A_37 = arith.addi %add3A_36, %mul3A_35 : i32
        %mul3A_38 = arith.constant 16 : i32
        %mul3A_39 = arith.muli %add3A_37, %mul3A_38 : i32
        %swap3A = arith.index_cast %add3A_27 : i32 to index
        %swap3A_40 = arith.index_cast %mul3A_39 : i32 to index
        %swap3A_41 = tpu.vector_load %arg6[%swap3A, %swap3A_40] {strides = array<i32>} : memref<64x128xf32, #tpu.memory_space<vmem>>, vector<1x16xf32>,
        %swap3A_42 = vector.shape_cast %swap3A_41 : vector<1x16xf32> to vector<16xf32>
        %swap3A_43 = vector.shape_cast %broadcast_in_dim3A_1 : vector<16xf32> to vector<1x16xf32>
        tpu.vector_store %arg6[%swap3A, %swap3A_40], %swap3A_43 {strides = array<i32>} : memref<64x128xf32, #tpu.memory_space<vmem>>, vector<1x16xf32>,
      }
      %scan3A_32 = arith.constant 8 : i32
    }
    %scan3A_5 = arith.constant 8 : i32
    %mul3A_6 = arith.constant 8 : i32
    %mul3A_7 = arith.muli %arg1, %mul3A_6 : i32
    "tpu.region"() ({
      %run_scoped3A = tpu.sem_alloc : memref<!tpu.dma_semaphore, #tpu.memory_space<semaphore_mem>>
      %dma_start3A = arith.constant 0 : i32
      %dma_start3A_23 = arith.constant 0 : i32
      %dma_start3A_24 = tpu.memref_slice %arg6[%dma_start3A, %dma_start3A_23] : memref<64x128xf32, #tpu.memory_space<vmem>> -> memref<8x128xf32, #tpu.memory_space<vmem>>
      %dma_start3A_25 = arith.constant 0 : i32
      %dma_start3A_26 = tpu.memref_slice %arg7[%mul3A_7, %dma_start3A_25] : memref<136x128xf32, #tpu.memory_space<vmem_shared>> -> memref<8x128xf32, #tpu.memory_space<vmem_shared>>
      %dma_start3A_27 = arith.constant 0 : i32
      %dma_start3A_28 = tpu.memref_slice %arg7[%mul3A_7, %dma_start3A_27] : memref<136x128xf32, #tpu.memory_space<vmem_shared>> -> memref<8x128xf32, #tpu.memory_space<vmem_shared>>
      %dma_start3A_29 = arith.constant 0 : i32
      %dma_start3A_30 = arith.constant 0 : i32
      %dma_start3A_31 = tpu.memref_slice %arg6[%dma_start3A_29, %dma_start3A_30] : memref<64x128xf32, #tpu.memory_space<vmem>> -> memref<8x128xf32, #tpu.memory_space<vmem>>
      tpu.enqueue_dma source(%dma_start3A_31 : memref<8x128xf32, #tpu.memory_space<vmem>>) target(%dma_start3A_28 : memref<8x128xf32, #tpu.memory_space<vmem_shared>>) target_semaphore(%run_scoped3A : memref<!tpu.dma_semaphore, #tpu.memory_space<semaphore_mem>>)
      %dma_wait3A = arith.constant 0 : i32
      %dma_wait3A_32 = arith.constant 0 : i32
      %dma_wait3A_33 = tpu.memref_slice %arg6[%dma_wait3A, %dma_wait3A_32] : memref<64x128xf32, #tpu.memory_space<vmem>> -> memref<8x128xf32, #tpu.memory_space<vmem>>
      %dma_wait3A_34 = arith.constant 0 : i32
      %dma_wait3A_35 = tpu.memref_slice %arg7[%mul3A_7, %dma_wait3A_34] : memref<136x128xf32, #tpu.memory_space<vmem_shared>> -> memref<8x128xf32, #tpu.memory_space<vmem_shared>>
      %dma_wait3A_36 = arith.constant 0 : i32
      %dma_wait3A_37 = tpu.memref_slice %arg7[%mul3A_7, %dma_wait3A_36] : memref<136x128xf32, #tpu.memory_space<vmem_shared>> -> memref<8x128xf32, #tpu.memory_space<vmem_shared>>
      %dma_wait3A_38 = arith.constant 0 : i32
      %dma_wait3A_39 = arith.constant 0 : i32
      %dma_wait3A_40 = tpu.memref_slice %arg6[%dma_wait3A_38, %dma_wait3A_39] : memref<64x128xf32, #tpu.memory_space<vmem>> -> memref<8x128xf32, #tpu.memory_space<vmem>>
      tpu.wait_dma2 semaphore(%run_scoped3A : memref<!tpu.dma_semaphore, #tpu.memory_space<semaphore_mem>>) src(%dma_wait3A_40 : memref<8x128xf32, #tpu.memory_space<vmem>>) dst(%dma_wait3A_37 : memref<8x128xf32, #tpu.memory_space<vmem_shared>>)
      tpu.yield
    }) : () -> ()
    %barrier3A = arith.constant 0 : index
    tpu.barrier barrier_id(%barrier3A)
    %mul3A_8 = arith.constant 320 : i32
    %mul3A_9 = arith.muli %add3A, %mul3A_8 : i32
    %scan3A_10 = arith.constant 0 : i32
    %scan3A_11 = arith.constant 5 : i32
    %scan3A_12 = arith.addi %scan3A_10, %scan3A_11 : i32
    %scan3A_13 = arith.constant 1 : i32
    scf.for %scan3A_23 = %scan3A_10 to %scan3A_12 step %scan3A_13  : i32 {
      %mul3A_24 = arith.constant 1 : i32
      %mul3A_25 = arith.muli %scan3A_23, %mul3A_24 : i32
      %add3A_26 = arith.constant 0 : i32
      %add3A_27 = arith.addi %add3A_26, %mul3A_25 : i32
      %mul3A_28 = arith.constant 64 : i32
      %mul3A_29 = arith.muli %add3A_27, %mul3A_28 : i32
      %add3A_30 = arith.addi %mul3A_9, %mul3A_29 : i32
      %multiple_of3A = tpu.assume_multiple %add3A_30, 64 : i32
      "tpu.region"() ({
        %run_scoped3A = tpu.sem_alloc : memref<!tpu.dma_semaphore, #tpu.memory_space<semaphore_mem>>
        %dma_start3A = arith.constant 0 : i32
        %dma_start3A_31 = tpu.memref_slice %arg2[%multiple_of3A, %dma_start3A] : memref<10240x128xf32, #tpu.memory_space<hbm>> -> memref<64x128xf32, #tpu.memory_space<hbm>>
        %dma_start3A_32 = arith.constant 0 : i32
        %dma_start3A_33 = tpu.memref_slice %arg2[%multiple_of3A, %dma_start3A_32] : memref<10240x128xf32, #tpu.memory_space<hbm>> -> memref<64x128xf32, #tpu.memory_space<hbm>>
        tpu.enqueue_dma source(%dma_start3A_33 : memref<64x128xf32, #tpu.memory_space<hbm>>) target(%arg6 : memref<64x128xf32, #tpu.memory_space<vmem>>) target_semaphore(%run_scoped3A : memref<!tpu.dma_semaphore, #tpu.memory_space<semaphore_mem>>)
        %dma_wait3A = arith.constant 0 : i32
        %dma_wait3A_34 = tpu.memref_slice %arg2[%multiple_of3A, %dma_wait3A] : memref<10240x128xf32, #tpu.memory_space<hbm>> -> memref<64x128xf32, #tpu.memory_space<hbm>>
        %dma_wait3A_35 = arith.constant 0 : i32
        %dma_wait3A_36 = tpu.memref_slice %arg2[%multiple_of3A, %dma_wait3A_35] : memref<10240x128xf32, #tpu.memory_space<hbm>> -> memref<64x128xf32, #tpu.memory_space<hbm>>
        tpu.wait_dma2 semaphore(%run_scoped3A : memref<!tpu.dma_semaphore, #tpu.memory_space<semaphore_mem>>) src(%dma_wait3A_36 : memref<64x128xf32, #tpu.memory_space<hbm>>) dst(%arg6 : memref<64x128xf32, #tpu.memory_space<vmem>>)
        tpu.yield
      }) : () -> ()
      "tpu.region"() ({
        %run_scoped3A = tpu.sem_alloc : memref<!tpu.dma_semaphore, #tpu.memory_space<semaphore_mem>>
        %dma_start3A = tpu.memref_slice %arg3[%multiple_of3A] : memref<10240xi32, #tpu.memory_space<hbm>> -> memref<64xi32, #tpu.memory_space<hbm>>
        %dma_start3A_31 = tpu.memref_slice %arg3[%multiple_of3A] : memref<10240xi32, #tpu.memory_space<hbm>> -> memref<64xi32, #tpu.memory_space<hbm>>
        tpu.enqueue_dma source(%dma_start3A_31 : memref<64xi32, #tpu.memory_space<hbm>>) target(%arg5 : memref<64xi32, #tpu.memory_space<vmem>>) target_semaphore(%run_scoped3A : memref<!tpu.dma_semaphore, #tpu.memory_space<semaphore_mem>>)
        %dma_wait3A = tpu.memref_slice %arg3[%multiple_of3A] : memref<10240xi32, #tpu.memory_space<hbm>> -> memref<64xi32, #tpu.memory_space<hbm>>
        %dma_wait3A_32 = tpu.memref_slice %arg3[%multiple_of3A] : memref<10240xi32, #tpu.memory_space<hbm>> -> memref<64xi32, #tpu.memory_space<hbm>>
        tpu.wait_dma2 semaphore(%run_scoped3A : memref<!tpu.dma_semaphore, #tpu.memory_space<semaphore_mem>>) src(%dma_wait3A_32 : memref<64xi32, #tpu.memory_space<hbm>>) dst(%arg5 : memref<64xi32, #tpu.memory_space<vmem>>)
        tpu.yield
      }) : () -> ()
      "tpu.region"() ({
        %run_scoped3A = tpu.sem_alloc : memref<!tpu.dma_semaphore, #tpu.memory_space<semaphore_mem>>
        %dma_start3A = arith.constant 0 : i32
        %dma_start3A_31 = arith.constant 0 : i32
        %dma_start3A_32 = tpu.memref_slice %arg7[%dma_start3A, %dma_start3A_31] : memref<136x128xf32, #tpu.memory_space<vmem_shared>> -> memref<136x128xf32, #tpu.memory_space<vmem_shared>>
        tpu.enqueue_indirect_dma source(%arg6 : memref<64x128xf32, #tpu.memory_space<vmem>>) target(%dma_start3A_32 : memref<136x128xf32, #tpu.memory_space<vmem_shared>>) offsets(%arg5 : memref<64xi32, #tpu.memory_space<vmem>>) semaphore(%run_scoped3A : memref<!tpu.dma_semaphore, #tpu.memory_space<semaphore_mem>>) {add = true}
        %dma_wait3A = arith.constant 0 : i32
        %dma_wait3A_33 = arith.constant 0 : i32
        %dma_wait3A_34 = tpu.memref_slice %arg7[%dma_wait3A, %dma_wait3A_33] : memref<136x128xf32, #tpu.memory_space<vmem_shared>> -> memref<136x128xf32, #tpu.memory_space<vmem_shared>>
        tpu.wait_indirect_dma semaphore(%run_scoped3A : memref<!tpu.dma_semaphore, #tpu.memory_space<semaphore_mem>>) src(%arg6 : memref<64x128xf32, #tpu.memory_space<vmem>>) dst(%dma_wait3A_34 : memref<136x128xf32, #tpu.memory_space<vmem_shared>>)
        tpu.yield
      }) : () -> ()
    }
    %scan3A_14 = arith.constant 5 : i32
    %barrier3A_15 = arith.constant 0 : index
    tpu.barrier barrier_id(%barrier3A_15)
    %mul3A_16 = arith.constant 8 : i32
    %mul3A_17 = arith.muli %arg1, %mul3A_16 : i32
    %mul3A_18 = arith.constant 128 : i32
    %mul3A_19 = arith.muli %arg0, %mul3A_18 : i32
    %mul3A_20 = arith.constant 8 : i32
    %mul3A_21 = arith.muli %arg1, %mul3A_20 : i32
    %add3A_22 = arith.addi %mul3A_19, %mul3A_21 : i32
    "tpu.region"() ({
      %run_scoped3A = tpu.sem_alloc : memref<!tpu.dma_semaphore, #tpu.memory_space<semaphore_mem>>
      %dma_start3A = arith.constant 0 : i32
      %dma_start3A_23 = tpu.memref_slice %arg4[%add3A_22, %dma_start3A] : memref<256x128xf32, #tpu.memory_space<hbm>> -> memref<8x128xf32, #tpu.memory_space<hbm>>
      %dma_start3A_24 = arith.constant 0 : i32
      %dma_start3A_25 = tpu.memref_slice %arg7[%mul3A_17, %dma_start3A_24] : memref<136x128xf32, #tpu.memory_space<vmem_shared>> -> memref<8x128xf32, #tpu.memory_space<vmem_shared>>
      tpu.enqueue_dma source(%dma_start3A_25 : memref<8x128xf32, #tpu.memory_space<vmem_shared>>) target(%dma_start3A_23 : memref<8x128xf32, #tpu.memory_space<hbm>>) target_semaphore(%run_scoped3A : memref<!tpu.dma_semaphore, #tpu.memory_space<semaphore_mem>>)
      %dma_wait3A = arith.constant 0 : i32
      %dma_wait3A_26 = tpu.memref_slice %arg4[%add3A_22, %dma_wait3A] : memref<256x128xf32, #tpu.memory_space<hbm>> -> memref<8x128xf32, #tpu.memory_space<hbm>>
      %dma_wait3A_27 = arith.constant 0 : i32
      %dma_wait3A_28 = tpu.memref_slice %arg7[%mul3A_17, %dma_wait3A_27] : memref<136x128xf32, #tpu.memory_space<vmem_shared>> -> memref<8x128xf32, #tpu.memory_space<vmem_shared>>
      tpu.wait_dma2 semaphore(%run_scoped3A : memref<!tpu.dma_semaphore, #tpu.memory_space<semaphore_mem>>) src(%dma_wait3A_28 : memref<8x128xf32, #tpu.memory_space<vmem_shared>>) dst(%dma_wait3A_26 : memref<8x128xf32, #tpu.memory_space<hbm>>)
      tpu.yield
    }) : () -> ()
    return
  }
}

module attributes {stable_mosaic.version = 14 : i64} {
  func.func @_dense_body(%arg0: i32, %arg1: memref<1024x128xf32, #tpu.memory_space<vmem>>, %arg2: memref<1024x128xf32, #tpu.memory_space<vmem>>, %arg3: memref<1024x128xf32, #tpu.memory_space<vmem>>, %arg4: memref<128x128xf32, #tpu.memory_space<vmem>>, %arg5: memref<1x128xf32, #tpu.memory_space<vmem>>, %arg6: memref<1x128xf32, #tpu.memory_space<vmem>>, %arg7: memref<1x128xf32, #tpu.memory_space<vmem>>, %arg8: memref<128x128xf32, #tpu.memory_space<vmem>>, %arg9: memref<1x128xf32, #tpu.memory_space<vmem>>, %arg10: memref<1024x128xf32, #tpu.memory_space<vmem>>) attributes {dimension_semantics = [#tpu.dimension_semantics<arbitrary>], iteration_bounds = array<i64: 10>, scalar_prefetch = 0 : i64, scratch_operands = 0 : i64, tpu.core_type = #tpu.core_type<tc>, window_params = [{transform_indices = @transform_0, window_bounds = array<i64: 1024, 128>}, {transform_indices = @transform_1, window_bounds = array<i64: 1024, 128>}, {transform_indices = @transform_2, window_bounds = array<i64: 1024, 128>}, {pipeline_mode = #tpu.pipeline_mode<synchronous>, transform_indices = @transform_3, window_bounds = array<i64: 128, 128>}, {pipeline_mode = #tpu.pipeline_mode<synchronous>, transform_indices = @transform_4, window_bounds = array<i64: 1, 128>}, {pipeline_mode = #tpu.pipeline_mode<synchronous>, transform_indices = @transform_5, window_bounds = array<i64: 1, 128>}, {pipeline_mode = #tpu.pipeline_mode<synchronous>, transform_indices = @transform_6, window_bounds = array<i64: 1, 128>}, {pipeline_mode = #tpu.pipeline_mode<synchronous>, transform_indices = @transform_7, window_bounds = array<i64: 128, 128>}, {pipeline_mode = #tpu.pipeline_mode<synchronous>, transform_indices = @transform_8, window_bounds = array<i64: 1, 128>}, {transform_indices = @transform_9, window_bounds = array<i64: 1024, 128>}]} {
    %get3A = arith.constant 0 : index
    %get3A_0 = arith.constant 0 : index
    %get3A_1 = vector.load %arg1[%get3A, %get3A_0] : memref<1024x128xf32, #tpu.memory_space<vmem>>, vector<1024x128xf32>
    %get3A_2 = arith.constant 0 : index
    %get3A_3 = arith.constant 0 : index
    %get3A_4 = vector.load %arg2[%get3A_2, %get3A_3] : memref<1024x128xf32, #tpu.memory_space<vmem>>, vector<1024x128xf32>
    %add3A = arith.addf %get3A_1, %get3A_4 : vector<1024x128xf32>
    %get3A_5 = arith.constant 0 : index
    %get3A_6 = arith.constant 0 : index
    %get3A_7 = vector.load %arg3[%get3A_5, %get3A_6] : memref<1024x128xf32, #tpu.memory_space<vmem>>, vector<1024x128xf32>
    %add3A_8 = arith.addf %add3A, %get3A_7 : vector<1024x128xf32>
    %get3A_9 = arith.constant 0 : index
    %get3A_10 = arith.constant 0 : index
    %get3A_11 = vector.load %arg4[%get3A_9, %get3A_10] : memref<128x128xf32, #tpu.memory_space<vmem>>, vector<128x128xf32>
    %dot_general3A = arith.constant dense<0.000000e+00> : vector<1024x128xf32>
    %dot_general3A_12 = tpu.matmul %add3A_8, %get3A_11, %dot_general3A {dimension_numbers = #tpu.dot_dimension_numbers<[1], [0], [0], [1], [0, 0, 1, 1], [], []>, transpose_lhs_hint = false} : vector<1024x128xf32>, vector<128x128xf32>, vector<1024x128xf32> -> vector<1024x128xf32>
    %get3A_13 = arith.constant 0 : index
    %get3A_14 = arith.constant 0 : index
    %get3A_15 = vector.load %arg5[%get3A_13, %get3A_14] : memref<1x128xf32, #tpu.memory_space<vmem>>, vector<1x128xf32>
    %add3A_16 = vector.broadcast %get3A_15 : vector<1x128xf32> to vector<1024x128xf32>
    %add3A_17 = arith.addf %dot_general3A_12, %add3A_16 : vector<1024x128xf32>
    %get3A_18 = arith.constant 0 : index
    %get3A_19 = arith.constant 0 : index
    %get3A_20 = vector.load %arg6[%get3A_18, %get3A_19] : memref<1x128xf32, #tpu.memory_space<vmem>>, vector<1x128xf32>
    %mul3A = arith.constant 0.999994993 : f32
    %mul3A_21 = vector.broadcast %mul3A : f32 to vector<1x128xf32>
    %mul3A_22 = arith.mulf %get3A_20, %mul3A_21 : vector<1x128xf32>
    %mul3A_23 = vector.broadcast %mul3A_22 : vector<1x128xf32> to vector<1024x128xf32>
    %mul3A_24 = arith.mulf %add3A_17, %mul3A_23 : vector<1024x128xf32>
    %get3A_25 = arith.constant 0 : index
    %get3A_26 = arith.constant 0 : index
    %get3A_27 = vector.load %arg7[%get3A_25, %get3A_26] : memref<1x128xf32, #tpu.memory_space<vmem>>, vector<1x128xf32>
    %add3A_28 = vector.broadcast %get3A_27 : vector<1x128xf32> to vector<1024x128xf32>
    %add3A_29 = arith.addf %mul3A_24, %add3A_28 : vector<1024x128xf32>
    %max3A = arith.constant 0.000000e+00 : f32
    %max3A_30 = vector.broadcast %max3A : f32 to vector<1024x128xf32>
    %max3A_31 = arith.maximumf %add3A_29, %max3A_30 : vector<1024x128xf32>
    %get3A_32 = arith.constant 0 : index
    %get3A_33 = arith.constant 0 : index
    %get3A_34 = vector.load %arg8[%get3A_32, %get3A_33] : memref<128x128xf32, #tpu.memory_space<vmem>>, vector<128x128xf32>
    %dot_general3A_35 = arith.constant dense<0.000000e+00> : vector<1024x128xf32>
    %dot_general3A_36 = tpu.matmul %max3A_31, %get3A_34, %dot_general3A_35 {dimension_numbers = #tpu.dot_dimension_numbers<[1], [0], [0], [1], [0, 0, 1, 1], [], []>, transpose_lhs_hint = false} : vector<1024x128xf32>, vector<128x128xf32>, vector<1024x128xf32> -> vector<1024x128xf32>
    %get3A_37 = arith.constant 0 : index
    %get3A_38 = arith.constant 0 : index
    %get3A_39 = vector.load %arg9[%get3A_37, %get3A_38] : memref<1x128xf32, #tpu.memory_space<vmem>>, vector<1x128xf32>
    %add3A_40 = vector.broadcast %get3A_39 : vector<1x128xf32> to vector<1024x128xf32>
    %add3A_41 = arith.addf %dot_general3A_36, %add3A_40 : vector<1024x128xf32>
    %max3A_42 = arith.constant 0.000000e+00 : f32
    %max3A_43 = vector.broadcast %max3A_42 : f32 to vector<1024x128xf32>
    %max3A_44 = arith.maximumf %add3A_41, %max3A_43 : vector<1024x128xf32>
    %swap3A = arith.constant 0 : index
    %swap3A_45 = arith.constant 0 : index
    %swap3A_46 = vector.load %arg10[%swap3A, %swap3A_45] : memref<1024x128xf32, #tpu.memory_space<vmem>>, vector<1024x128xf32>
    tpu.vector_store %arg10[%swap3A, %swap3A_45], %max3A_44 {strides = array<i32>} : memref<1024x128xf32, #tpu.memory_space<vmem>>, vector<1024x128xf32>,
    return
  }
  func.func @transform_0(%arg0: i32) -> (i32, i32) {
    %c0_i32 = arith.constant 0 : i32
    %c0_i32_0 = arith.constant 0 : i32
    return %arg0, %c0_i32 : i32, i32
  }
  func.func @transform_1(%arg0: i32) -> (i32, i32) {
    %c0_i32 = arith.constant 0 : i32
    %c0_i32_0 = arith.constant 0 : i32
    return %arg0, %c0_i32 : i32, i32
  }
  func.func @transform_2(%arg0: i32) -> (i32, i32) {
    %add3A = arith.constant 10 : i32
    %add3A_0 = arith.addi %arg0, %add3A : i32
    %c0_i32 = arith.constant 0 : i32
    %c0_i32_1 = arith.constant 0 : i32
    return %add3A_0, %c0_i32 : i32, i32
  }
  func.func @transform_3(%arg0: i32) -> (i32, i32) {
    %c0_i32 = arith.constant 0 : i32
    %c0_i32_0 = arith.constant 0 : i32
    %c0_i32_1 = arith.constant 0 : i32
    return %c0_i32, %c0_i32_0 : i32, i32
  }
  func.func @transform_4(%arg0: i32) -> (i32, i32) {
    %c0_i32 = arith.constant 0 : i32
    %c0_i32_0 = arith.constant 0 : i32
    %c0_i32_1 = arith.constant 0 : i32
    return %c0_i32, %c0_i32_0 : i32, i32
  }
  func.func @transform_5(%arg0: i32) -> (i32, i32) {
    %c0_i32 = arith.constant 0 : i32
    %c0_i32_0 = arith.constant 0 : i32
    %c0_i32_1 = arith.constant 0 : i32
    return %c0_i32, %c0_i32_0 : i32, i32
  }
  func.func @transform_6(%arg0: i32) -> (i32, i32) {
    %c0_i32 = arith.constant 0 : i32
    %c0_i32_0 = arith.constant 0 : i32
    %c0_i32_1 = arith.constant 0 : i32
    return %c0_i32, %c0_i32_0 : i32, i32
  }
  func.func @transform_7(%arg0: i32) -> (i32, i32) {
    %c0_i32 = arith.constant 0 : i32
    %c0_i32_0 = arith.constant 0 : i32
    %c0_i32_1 = arith.constant 0 : i32
    return %c0_i32, %c0_i32_0 : i32, i32
  }
  func.func @transform_8(%arg0: i32) -> (i32, i32) {
    %c0_i32 = arith.constant 0 : i32
    %c0_i32_0 = arith.constant 0 : i32
    %c0_i32_1 = arith.constant 0 : i32
    return %c0_i32, %c0_i32_0 : i32, i32
  }
  func.func @transform_9(%arg0: i32) -> (i32, i32) {
    %c0_i32 = arith.constant 0 : i32
    %c0_i32_0 = arith.constant 0 : i32
    return %arg0, %c0_i32 : i32, i32
  }
}

module attributes {stable_mosaic.version = 14 : i64} {
  func.func @_head_body(%arg0: memref<256x128xf32, #tpu.memory_space<vmem>>, %arg1: memref<128x128xf32, #tpu.memory_space<vmem>>, %arg2: memref<1x128xf32, #tpu.memory_space<vmem>>, %arg3: memref<128x10xf32, #tpu.memory_space<vmem>>, %arg4: memref<1x10xf32, #tpu.memory_space<vmem>>, %arg5: memref<128x10xf32, #tpu.memory_space<vmem>>) attributes {dimension_semantics = [], scalar_prefetch = 0 : i64, scratch_operands = 0 : i64, tpu.core_type = #tpu.core_type<tc>} {
    %get3A = arith.constant 0 : index
    %get3A_0 = arith.constant 0 : index
    %get3A_1 = vector.load %arg0[%get3A, %get3A_0] : memref<256x128xf32, #tpu.memory_space<vmem>>, vector<128x128xf32>
    %get3A_2 = arith.constant 128 : index
    %get3A_3 = arith.constant 0 : index
    %get3A_4 = vector.load %arg0[%get3A_2, %get3A_3] : memref<256x128xf32, #tpu.memory_space<vmem>>, vector<128x128xf32>
    %add3A = arith.addf %get3A_1, %get3A_4 : vector<128x128xf32>
    %get3A_5 = arith.constant 0 : index
    %get3A_6 = arith.constant 0 : index
    %get3A_7 = vector.load %arg1[%get3A_5, %get3A_6] : memref<128x128xf32, #tpu.memory_space<vmem>>, vector<128x128xf32>
    %dot_general3A = arith.constant dense<0.000000e+00> : vector<128x128xf32>
    %dot_general3A_8 = tpu.matmul %add3A, %get3A_7, %dot_general3A {dimension_numbers = #tpu.dot_dimension_numbers<[1], [0], [0], [1], [0, 0, 1, 1], [], []>, transpose_lhs_hint = false} : vector<128x128xf32>, vector<128x128xf32>, vector<128x128xf32> -> vector<128x128xf32>
    %get3A_9 = arith.constant 0 : index
    %get3A_10 = arith.constant 0 : index
    %get3A_11 = vector.load %arg2[%get3A_9, %get3A_10] : memref<1x128xf32, #tpu.memory_space<vmem>>, vector<1x128xf32>
    %add3A_12 = vector.broadcast %get3A_11 : vector<1x128xf32> to vector<128x128xf32>
    %add3A_13 = arith.addf %dot_general3A_8, %add3A_12 : vector<128x128xf32>
    %max3A = arith.constant 0.000000e+00 : f32
    %max3A_14 = vector.broadcast %max3A : f32 to vector<128x128xf32>
    %max3A_15 = arith.maximumf %add3A_13, %max3A_14 : vector<128x128xf32>
    %get3A_16 = arith.constant 0 : index
    %get3A_17 = arith.constant 0 : index
    %get3A_18 = vector.load %arg3[%get3A_16, %get3A_17] : memref<128x10xf32, #tpu.memory_space<vmem>>, vector<128x10xf32>
    %dot_general3A_19 = arith.constant dense<0.000000e+00> : vector<128x10xf32>
    %dot_general3A_20 = tpu.matmul %max3A_15, %get3A_18, %dot_general3A_19 {dimension_numbers = #tpu.dot_dimension_numbers<[1], [0], [0], [1], [0, 0, 1, 1], [], []>, transpose_lhs_hint = false} : vector<128x128xf32>, vector<128x10xf32>, vector<128x10xf32> -> vector<128x10xf32>
    %get3A_21 = arith.constant 0 : index
    %get3A_22 = arith.constant 0 : index
    %get3A_23 = vector.load %arg4[%get3A_21, %get3A_22] : memref<1x10xf32, #tpu.memory_space<vmem>>, vector<1x10xf32>
    %add3A_24 = vector.broadcast %get3A_23 : vector<1x10xf32> to vector<128x10xf32>
    %add3A_25 = arith.addf %dot_general3A_20, %add3A_24 : vector<128x10xf32>
    %swap3A = arith.constant 0 : index
    %swap3A_26 = arith.constant 0 : index
    %swap3A_27 = vector.load %arg5[%swap3A, %swap3A_26] : memref<128x10xf32, #tpu.memory_space<vmem>>, vector<128x10xf32>
    tpu.vector_store %arg5[%swap3A, %swap3A_26], %add3A_25 {strides = array<i32>} : memref<128x10xf32, #tpu.memory_space<vmem>>, vector<128x10xf32>,
    return
  }
}

</mosaic_0001>

<sc_bundles>
// kernel: kernel.10.cloned.1.call-start
scs
__scs_entry_jumppad:
0x0: {  	(pc) =	sbr.rel $0x88, $3  }
0x1: {  	(tag) =	ssettag $0x0;
	lr =	simm.s32 $0x1  }
0x2: {  	[smem:$0x3F88] =	sst lr;
	_ =	strace $0xD0000000  }
0x3: {  	_ = 	snop  }
0x4: {  	_ = 	snop  }
0x5: {  	_ = 	snop  }
0x6: {  	_ = 	snop  }
0x7: {  	_ = 	snop  }
__scs_overlays_trampoline_lowered:
0x8: {  	[smem:$0x3F97] =	sst s0  }
0x9: {  	[smem:$0x3F98] =	sst s1  }
0xa: {  	[smem:$0x3F99] =	sst s2  }
0xb: {  	[smem:$0x3F9A] =	sst s3  }
0xc: {  	[smem:$0x3F9B] =	sst s4  }
0xd: {  	[smem:$0x3F9C] =	sst s5  }
0xe: {  	[smem:$0x3F9D] =	sst s6  }
0xf: {  	[smem:$0x3F9E] =	sst s7  }
0x10: {  	[smem:$0x3F9F] =	sst s8  }
0x11: {  	[smem:$0x3FA0] =	sst s9;
	s0 =	simm.s32 @!p0 $0x0  }
0x12: {  	s1 =	sld [smem:$0x3F86];
	s0 =	simm.s32 @p0 $0x1  }
0x13: {  	[smem:$0x3FA1] =	sst s0;
	s0 =	simm.s32 @!p1 $0x0  }
0x14: {  	s2 =	sld [smem:$0x3F85];
	s0 =	simm.s32 @p1 $0x1  }
0x15: {  	[smem:$0x3FA2] =	sst s0;
	s0 =	simm.s32 @!p2 $0x0  }
0x16: {  	s3 =	sld [smem:$0x3FDB];
	s0 =	simm.s32 @p2 $0x1  }
0x17: {  	s4 =	simm.s32 $0x1BF5;
	[smem:$0x3FA4] =	sst s0  }
0x18: {  	s0 =	sld [smem:$0x3F87];
	_ =	swait.ge [sflag:s4], $0x0  }
0x19: {  	s7 =	sld [smem:$0x3F88]  }
0x1a: {  	s8 =	sadd.s32 $0xFFFFE003, lr  }
0x1b: {  	s9 =	sadd.s32 $0xFFFFFEF7, lr;
	s5 =	simm.s32 $0xFFFFFFFF;
	p2 =	slt.u32 s8, $0xFFFFF086  }
0x1c: {  	p1 =	slt.u32 s9, $0xF7A;
	s5 =	simm.s32 @!p2 $0x0  }
0x1d: {  	s5 =	simm.s32 @p1 $0x1;
	p0 =	seq.s32 s7, s2  }
0x1e: {  	s7 =	smul.u32 @!p0 $0xF7A, s2;
	p2 =	seq.s32 @!p0 s5, $0x0  }
0x1f: {  	s9 =	smul.u32 $0xF7A, s1;
	s8 =	simm.s32 @!p0 $0x1BF5;
	p2 =	por !p2, p0  }
0x20: {  	[sflag:s8] =	ssyncset.s32 @!p0 $0xFFFFF086;
	s6 =	sadd.s32 @!p0 s3, s7;
	s7 =	simm.s32 @!p0 $0x108  }
0x21: {  	s3 =	sadd.s32 s3, s9;
	s6 =	sadd.s32 @!p0 $0x88, s6;
	s7 =	simm.s32 @p2 $0x1082  }
0x22: {  	[simem:s7], [sflag:s8] =	dma.local @!p0 [hbm:s6], $0xF7A  }
0x23: {  	s9 =	sor.u32 $0xD0000000, s2;
	s6 =	simm.s32 $0x108;
	_ =	swait.ge @!p0 [sflag:s8], $0x0  }
0x24: {  	s3 =	sadd.s32 $0x88, s3;
	s6 =	simm.s32 @!p1 $0x1082;
	[sflag:s4] =	ssyncset.s32 $0xFFFFF086  }
0x25: {  	[simem:s6], [sflag:s4] =	dma.local [hbm:s3], $0xF7A  }
0x26: {  	[smem:$0x3F88] =	sst s1;
	(tag) =	ssettag s2;
	_ =	strace s9  }
0x27: {  	s1 =	sld [smem:$0x3F98]  }
0x28: {  	s2 =	sld [smem:$0x3F99]  }
0x29: {  	s4 =	sld [smem:$0x3F9B]  }
0x2a: {  	p0 =	seq.s32 s5, $0x0;
	s5 =	sld [smem:$0x3F9C]  }
0x2b: {  	s6 =	sld [smem:$0x3F9D]  }
0x2c: {  	s7 =	sld [smem:$0x3F9E]  }
0x2d: {  	s3 =	simm.s32 $0x108;
	s8 =	sld [smem:$0x3F9F]  }
0x2e: {  	s3 =	simm.s32 @!p0 $0x1082;
	s9 =	sld [smem:$0x3FA0]  }
0x2f: {  	lr =	sadd.s32 s0, s3;
	s0 =	sld [smem:$0x3F97]  }
0x30: {  	s3 =	sld [smem:$0x3F9A]  }
0x31: {  	[smem:$0x3FA3] =	sst s10  }
0x32: {  	s10 =	sld [smem:$0x3FA1];
	_ =	sdelay $0x3  }
0x33: {  	p0 =	seq.s32 s10, $0x1;
	s10 =	sld [smem:$0x3FA3];
	_ =	sdelay $0x3  }
0x34: {  	[smem:$0x3FA3] =	sst s10  }
0x35: {  	s10 =	sld [smem:$0x3FA2];
	_ =	sdelay $0x3  }
0x36: {  	p1 =	seq.s32 s10, $0x1;
	s10 =	sld [smem:$0x3FA3];
	_ =	sdelay $0x3  }
0x37: {  	[smem:$0x3FA3] =	sst s10  }
0x38: {  	s10 =	sld [smem:$0x3FA4]  }
0x39: {  	_ = 	snop;
	(pc) =	sbr.ind lr, $3  }
0x3a: {  	_ = 	snop  }
0x3b: {  	_ = 	snop  }
0x3c: {  	p2 =	seq.s32 s10, $0x1;
	s10 =	sld [smem:$0x3FA3]  }
0x3d: {  	_ =	shalt  }
0x3e: {  	_ =	shalt  }
0x3f: {  	_ =	shalt  }
0x40: {  	_ =	shalt  }
0x41: {  	_ =	shalt  }
0x42: {  	_ =	shalt  }
0x43: {  	_ =	shalt  }
0x44: {  	_ =	shalt  }
0x45: {  	_ =	shalt  }
0x46: {  	_ =	shalt  }
0x47: {  	_ =	shalt  }
0x48: {  	_ =	shalt  }
0x49: {  	_ =	shalt  }
0x4a: {  	_ =	shalt  }
0x4b: {  	_ =	shalt  }
0x4c: {  	_ =	shalt  }
0x4d: {  	_ =	shalt  }
0x4e: {  	_ =	shalt  }
0x4f: {  	_ =	shalt  }
0x50: {  	_ =	shalt  }
0x51: {  	_ =	shalt  }
0x52: {  	_ =	shalt  }
0x53: {  	_ =	shalt  }
0x54: {  	_ =	shalt  }
0x55: {  	_ =	shalt  }
0x56: {  	_ =	shalt  }
0x57: {  	_ =	shalt  }
0x58: {  	_ =	shalt  }
0x59: {  	_ =	shalt  }
0x5a: {  	_ =	shalt  }
0x5b: {  	_ =	shalt  }
0x5c: {  	_ =	shalt  }
0x5d: {  	_ =	shalt  }
0x5e: {  	_ =	shalt  }
0x5f: {  	_ =	shalt  }
0x60: {  	_ =	shalt  }
0x61: {  	_ =	shalt  }
0x62: {  	_ =	shalt  }
0x63: {  	_ =	shalt  }
0x64: {  	_ =	shalt  }
0x65: {  	_ =	shalt  }
0x66: {  	_ =	shalt  }
0x67: {  	_ =	shalt  }
0x68: {  	_ =	shalt  }
0x69: {  	_ =	shalt  }
0x6a: {  	_ =	shalt  }
0x6b: {  	_ =	shalt  }
0x6c: {  	_ =	shalt  }
0x6d: {  	_ =	shalt  }
0x6e: {  	_ =	shalt  }
0x6f: {  	_ =	shalt  }
0x70: {  	_ =	shalt  }
0x71: {  	_ =	shalt  }
0x72: {  	_ =	shalt  }
0x73: {  	_ =	shalt  }
0x74: {  	_ =	shalt  }
0x75: {  	_ =	shalt  }
0x76: {  	_ =	shalt  }
0x77: {  	_ =	shalt  }
0x78: {  	_ =	shalt  }
0x79: {  	_ =	shalt  }
0x7a: {  	_ =	shalt  }
0x7b: {  	_ =	shalt  }
0x7c: {  	_ =	shalt  }
0x7d: {  	_ =	shalt  }
0x7e: {  	_ =	shalt  }
0x7f: {  	_ =	shalt  }
0x80: {  	_ =	shalt  }
0x81: {  	_ =	shalt  }
0x82: {  	_ =	shalt  }
0x83: {  	_ =	shalt  }
0x84: {  	_ =	shalt  }
0x85: {  	_ =	shalt  }
0x86: {  	_ =	shalt  }
0x87: {  	_ =	shalt  }
.Lfunc_end0:
.L_simem_size_0:
called_computation_lowered:
.L_overlay_start_0:
0x88: {  	s2 =	sld [smem:$0x3FD9]  }
0x89: {  	s3 =	sld [smem:$0x3FFE];
	_ =	sdelay $0x1  }
0x8a: {  	s1 =	srdreg.scid  }
0x8b: {  	s0 =	sand.u32 $0x1, s1  }
0x8c: {  	s16 =	sshll.u32 s0, $0xA;
	s2 =	sadd.s32 s3, s2  }
0x8d: {  	s2 =	sadd.s32 s2, s16  }
0x8e: {  	[smem:$0x3FAF] =	sst s2  }
0x8f: {  	_ = 	snop  }
0x90: {  	(tm) =	ssettm $0x1  }
0x91: {  	s17 =	sld [smem:$0x3FFB];
	_ =	sdelay $0x3  }
0x92: {  	_ =	strace s17  }
0x93: {  	s2 =	sld [smem:$0x3FFC];
	_ =	sdelay $0x3  }
0x94: {  	_ =	strace s2  }
0x95: {  	s2 =	sld [smem:$0x3FFD];
	_ =	sdelay $0x3  }
0x96: {  	_ =	strace s2  }
0x97: {  	_ =	strace $0x8FFFFFFF  }
0x98: {  	s18 =	sld [smem:$0x3FDB];
	_ =	sdelay $0x1  }
0x99: {  	s19 =	simm.s32 $_scs_section_size  }
0x9a: {  	s4 =	simm.s32 $_size__tile_overlayer_lowered;
	s5 =	simm.s32 $_tile_overlayer_lowered  }
0x9b: {  	s22 =	simm.s32 $0x1BFF;
	s21 =	sshll.u32 s5, $0x1;
	s2 =	sadd.s32 s19, s18  }
0x9c: {  	s6 =	simm.s32 $0x0;
	s20 =	sshll.u32 s4, $0x1;
	s4 =	sadd.s32 s21, s2  }
0x9d: {  	[timem:s6], [sflag:s22] =	dma.local [hbm:s4], s20  }
0x9e: {  	_ =	swait.ge [sflag:s22], s20  }
0x9f: {  	s3 =	ssub.s32 $0x0, s20;
	[sflag:s22] =	ssyncset.done $0x0  }
0xa0: {  	[sflag:s22] =	ssyncadd.s32 s3;
	_ =	sdelay $0x1  }
0xa1: {  	s23 =	simm.s32 $0x1B8B  }
0xa2: {  	_ =	swait.ge [sflag:s23], $0x1  }
0xa3: {  	[sflag:s23] =	ssyncset.done $0x0  }
0xa4: {  	s25 =	simm.s32 $0x1B8E;
	s24 =	sld [smem:$0x3FFE];
	[sflag:s23] =	ssyncadd.s32 $0xFFFFFFFF  }
0xa5: {  	s26 =	simm.s32 $execute0_lowered;
	[smem:$0x3FD2] =	sst s25  }
0xa6: {  	s4 =	sshll.u32 s26, $0x1;
	_ =	strace $0x80000046;
	[dreg:$0x1] =	wrdreg $0xFFFFFFFF  }
0xa7: {  	s28 =	simm.s32 $_size_execute0_lowered;
	s2 =	sadd.s32 s2, s4;
	[dreg:$0x0] =	wrdreg $0x0  }
0xa8: {  	s4 =	sshll.u32 s28, $0x1;
	[dreg:$0x2] =	wrdreg s2  }
0xa9: {  	[dreg:$0x3] =	wrdreg s4  }
0xaa: {  	[dreg:$0x4] =	wrdreg $0xC0  }
0xab: {  	_ =	task [dreg:s6], $0x5FFFF  }
0xac: {  	[dreg:$0x1] =	wrdreg $0xFFFFFFFF  }
0xad: {  	[dreg:$0x0] =	wrdreg $0x60  }
0xae: {  	[dreg:$0x2] =	wrdreg s24  }
0xaf: {  	[dreg:$0x3] =	wrdreg $0x41000  }
0xb0: {  	[dreg:$0x4] =	wrdreg $0x9  }
0xb1: {  	_ =	task.clear_ibuf [dreg:s6], $0x5FFFF;
	_ =	strace $0x90000046  }
0xb2: {  	s29 =	simm.s32 $0x9;
	_ =	strace $0x80000048  }
0xb3: {  	_ =	swait.ge [sflag:s29], $0x1  }
0xb4: {  	[sflag:s29] =	ssyncadd.s32 $0xFFFFFFFF  }
0xb5: {  	_ =	strace $0x90000048  }
0xb6: {  	_ =	sfence  }
0xb7: {  	s30 =	sld [smem:$0x0];
	_ =	sdelay $0x2  }
0xb8: {  	s31 =	sshll.u32 s1, $0xD;
	s1 =	sshrl.u32 s1, $0x2  }
0xb9: {  	s3 =	sand.u32 $0x4000, s31;
	s1 =	sadd.s32 s1, s30  }
0xba: {  	s0 =	sor.u32 s3, s0;
	s1 =	sshll.u32 s1, $0x11  }
0xbb: {  	s0 =	sor.u32 s1, s0  }
0xbc: {  	s0 =	sadd.s32 $0x8F2B, s0  }
0xbd: {  	[sflag:s0] =	ssyncadd.remote.s32 $0x1  }
0xbe: {  	_ =	sfence.sel $0xFFFF  }
0xbf: {  	[dreg:$0x0] =	wrdreg $0xFFFFFFFF;
	(pc) =	sbr.abs _section_cstart, $3  }
0xc0: {  	[dreg:$0x1] =	wrdreg $0xFFFFFFFF  }
0xc1: {  	_ =	task.clear_ibuf [dreg:s6], $0x2FFFF;
	_ =	strace $0x9FFFFFFF  }
0xc2: {  	(tm) =	ssettm $0x7FFFFFFF  }
0xc3: {  	_ =	shalt  }
tec
execute0_lowered:
.L_overlay_start_1:
0x0: {  	(tag) =	ssettag $0x1  }
0x1: {  	s5 =	rddreg [dreg:$0x0]  }
0x2: {  	s2 =	rddreg [dreg:$0x1]  }
0x3: {  	s0 =	rddreg [dreg:$0x2];
	s1 =	stileid.u32  }
0x4: {  	s4 =	srdreg.scid;
	s6 =	smul.u32 $0x2300, s1  }
0x5: {  	s3 =	simm.s32 $0x0;
	s7 =	sand.u32 $0x1, s4;
	s4 =	smul.u32 $0x2B80, s1  }
0x6: {  	s15 =	simm.s32 $0x100;
	s16 =	simm.s32 $0x2;
	s9 =	smul.u32 $0x2800, s1  }
0x7: {  	[smem:$0x7FF] =	sst s3;
	s29 =	smul.u32 $0x50000, s1;
	p0 =	seq.s32 s7, $0x0  }
0x8: {  	s8 =	smul.u32 $0x28000, s7;
	_ =	strace $0x80000047;
	s7 =	ssub.s32 $0x2, s7  }
0x9: {  	s6 =	sadd.s32 $0x2B800, s6;
	s30 =	sshrl.u32 s7, $0x1;
	s31 =	sshrl.u32 s29, $0x2  }
0xa: {  	s6 =	smov.u32 @p0 s4;
	s4 =	sadd.s32 $0x18E00, s5;
	s8 =	sadd.s32 s9, s8  }
0xb: {  	s10 =	ssub.s32 s7, s30;
	s6 =	sshrl.u32 s6, $0x3;
	s8 =	sadd.s32 s8, s5  }
0xc: {  	s14 =	sadd.s32 s6, s5;
	s5 =	simm.s32 $0x57;
	s6 =	sadd.s32 s31, s2  }
0xd: {  	s7 =	sadd.s32 $0x40E00, s8;
	s8 =	smax.u32 s10, $0x1;
	s5 =	simm.s32 @!p0 $0x46  }
0xe: {  	s9 =	sadd.s32 $0x4000, s6;
	s10 =	sadd.s32 $0x8000, s6;
	s11 =	sadd.s32 $0xC000, s6  }
0xf: {  	v0 =	vimm.f32 $0.0e+00;
	s12 =	sadd.s32 $0x10000, s6;
	s13 =	sadd.s32 $0xF000, s14;
	s14 =	sadd.s32 $0x5200, s14  }
.LBB2_1:
0x10: {  	s17 =	simm.s32 $0x0;
	s18 =	simm.s32 $0x200  }
.LBB2_2:
0x11: {  	p0 =	sne.s32 s18, $0xFE00;
	[tilespmem:s17+$0x170] =	vst v0  }
0x12: {  	[tilespmem:s17+$0x100] =	vst v0  }
0x13: {  	[tilespmem:s17+$0x110] =	vst v0  }
.Ltmp0:
0x14: {  	[tilespmem:s17+$0x120] =	vst v0;
	(pc) =	sbr.rel @p0 .LBB2_2-.Ltmp0, $4  }
0x15: {  	[tilespmem:s17+$0x130] =	vst v0  }
0x16: {  	[tilespmem:s17+$0x140] =	vst v0  }
0x17: {  	[tilespmem:s17+$0x150] =	vst v0  }
0x18: {  	[tilespmem:s17+$0x160] =	vst v0;
	s17 =	sshra.s32 s18, $0x2;
	s18 =	sadd.s32 $0x200, s18  }
0x19: {  	[tilespmem:s17+$0x170] =	vst v0  }
0x1a: {  	[tilespmem:s17+$0x100] =	vst v0  }
0x1b: {  	[tilespmem:s17+$0x110] =	vst v0  }
0x1c: {  	[tilespmem:s17+$0x120] =	vst v0  }
0x1d: {  	[tilespmem:s17+$0x130] =	vst v0  }
0x1e: {  	[tilespmem:s17+$0x140] =	vst v0  }
0x1f: {  	[tilespmem:s17+$0x150] =	vst v0  }
0x20: {  	[tilespmem:s17+$0x160] =	vst v0  }
0x21: {  	[spmem:s6] =	stream.linear.scatter [tilespmem:s15], [sflag:$0x2], $0x4000, $0x38;
	[tilespmem:$0x18140] =	vst v63  }
0x22: {  	_ =	swait.ge [sflag:s16], $0x4000  }
0x23: {  	[sflag:s16] =	ssyncset.done $0x0  }
0x24: {  	[sflag:s16] =	ssyncadd.s32 $0xFFFFC000  }
0x25: {  	[spmem:s9] =	stream.linear.scatter [tilespmem:s15], [sflag:$0x2], $0x4000, $0x38;
	[tilespmem:$0x18140] =	vst v63  }
0x26: {  	_ =	swait.ge [sflag:s16], $0x4000  }
0x27: {  	[sflag:s16] =	ssyncset.done $0x0  }
0x28: {  	[sflag:s16] =	ssyncadd.s32 $0xFFFFC000  }
0x29: {  	[spmem:s10] =	stream.linear.scatter [tilespmem:s15], [sflag:$0x2], $0x4000, $0x38;
	[tilespmem:$0x18140] =	vst v63  }
0x2a: {  	_ =	swait.ge [sflag:s16], $0x4000  }
0x2b: {  	[sflag:s16] =	ssyncset.done $0x0  }
0x2c: {  	[sflag:s16] =	ssyncadd.s32 $0xFFFFC000  }
0x2d: {  	[spmem:s11] =	stream.linear.scatter [tilespmem:s15], [sflag:$0x2], $0x4000, $0x38;
	[tilespmem:$0x18140] =	vst v63  }
0x2e: {  	_ =	swait.ge [sflag:s16], $0x4000  }
0x2f: {  	[sflag:s16] =	ssyncset.done $0x0  }
0x30: {  	[sflag:s16] =	ssyncadd.s32 $0xFFFFC000  }
0x31: {  	[spmem:s12] =	stream.linear.scatter [tilespmem:s15], [sflag:$0x2], $0x4000, $0x38;
	[tilespmem:$0x18140] =	vst v63  }
0x32: {  	_ =	swait.ge [sflag:s16], $0x4000  }
0x33: {  	[sflag:s16] =	ssyncset.done $0x0  }
0x34: {  	p0 =	sle.u32 s5, $0x0;
	[sflag:s16] =	ssyncadd.s32 $0xFFFFC000  }
0x35: {  	s17 =	simm.s32 @!p0 $0x0;
	s18 =	simm.s32 @!p0 $0x3;
	[bflag:$0x0] =	sbarrier.arrive $0xFFFF  }
0x36: {  	[tilespmem:s17], [sflag:$0x3] =	stream.linear.gather @!p0 [hbm4b:s14+s17], $0x80, $0x38;
	[tilespmem:$0x18140] =	vst v63  }
0x37: {  	_ =	swait.ge @!p0 [sflag:s18], $0x80  }
0x38: {  	[sflag:s18] =	ssyncset.done @!p0 $0x0;
	p0 =	por p0, p0  }
0x39: {  	[sflag:s18] =	ssyncadd.s32 @!p0 $0xFFFFFF80;
	s19 =	simm.s32 @!p0 $0x80  }
0x3a: {  	[tilespmem:s19], [sflag:$0x3] =	stream.linear.gather @!p0 [hbm4b:s13+s17], $0x80, $0x38;
	[tilespmem:$0x18140] =	vst v63  }
0x3b: {  	_ =	swait.ge @!p0 [sflag:s18], $0x80  }
0x3c: {  	[sflag:s18] =	ssyncset.done @!p0 $0x0  }
0x3d: {  	s20 =	simm.s32 @!p0 $0x1;
	[sflag:s18] =	ssyncadd.s32 @!p0 $0xFFFFFF80;
	s18 =	simm.s32 @!p0 $0x100  }
0x3e: {  	[tilespmem:s18], [sflag:$0x1] =	stream.indirect.gather @!p0 [hbm4b:s4+s19], $0x80, s17, s19, $0xb8;
	[tilespmem:$0x18140] =	vst v63  }
0x3f: {  	_ =	swait.ge @!p0 [sflag:s20], $0x4000  }
0x40: {  	[sflag:s20] =	ssyncset.done @!p0 $0x0  }
0x41: {  	[sflag:s20] =	ssyncadd.s32 @!p0 $0xFFFFC000;
	s20 =	simm.s32 @!p0 $0x2  }
0x42: {  	[spmem:s2] =	stream.indirect.scatter.add.f32 @!p0 [tilespmem:s18], [sflag:$0x2], $0x80, s19, s19, $0xb8;
	[tilespmem:$0x18140] =	vst v63  }
0x43: {  	p2 =	sle.u32 s5, $0x1;
	s17 =	sadd.s32 $0x10, s13;
	_ =	swait.ge @!p0 [sflag:s20], $0x4000  }
0x44: {  	s19 =	simm.s32 $0x2;
	s18 =	sadd.s32 $0x10, s14;
	[sflag:s20] =	ssyncset.done @!p0 $0x0  }
.LBB2_4:
0x45: {  	s21 =	simm.s32 @!p2 $0x0;
	s22 =	simm.s32 @!p2 $0x3;
	[sflag:s20] =	ssyncadd.s32 @!p0 $0xFFFFC000  }
0x46: {  	[tilespmem:s21], [sflag:$0x3] =	stream.linear.gather @!p2 [hbm4b:s18+s21], $0x80, $0x38;
	[tilespmem:$0x18140] =	vst v63  }
0x47: {  	s23 =	smov.u32 s19;
	s19 =	sadd.s32 $0x1, s19;
	_ =	swait.ge @!p2 [sflag:s22], $0x80  }
0x48: {  	p0 =	por p2, p2;
	p1 =	sne.s32 s19, $0x57;
	[sflag:s22] =	ssyncset.done @!p2 $0x0  }
0x49: {  	s24 =	simm.s32 @!p0 $0x80;
	[sflag:s22] =	ssyncadd.s32 @!p0 $0xFFFFFF80  }
0x4a: {  	[tilespmem:s24], [sflag:$0x3] =	stream.linear.gather @!p0 [hbm4b:s17+s21], $0x80, $0x38;
	[tilespmem:$0x18140] =	vst v63  }
0x4b: {  	_ =	swait.ge @!p0 [sflag:s22], $0x80  }
0x4c: {  	[sflag:s22] =	ssyncset.done @!p0 $0x0  }
0x4d: {  	s20 =	simm.s32 @!p0 $0x1;
	[sflag:s22] =	ssyncadd.s32 @!p0 $0xFFFFFF80;
	s22 =	simm.s32 @!p0 $0x100  }
0x4e: {  	[tilespmem:s22], [sflag:$0x1] =	stream.indirect.gather @!p0 [hbm4b:s4+s24], $0x80, s21, s24, $0xb8;
	[tilespmem:$0x18140] =	vst v63  }
0x4f: {  	_ =	swait.ge @!p0 [sflag:s20], $0x4000  }
.Ltmp1:
0x50: {  	[sflag:s20] =	ssyncset.done @!p0 $0x0;
	(pc) =	sbr.rel @p1 .LBB2_4-.Ltmp1, $4  }
0x51: {  	[sflag:s20] =	ssyncadd.s32 @!p0 $0xFFFFC000;
	s20 =	simm.s32 @!p0 $0x2  }
0x52: {  	[spmem:s2] =	stream.indirect.scatter.add.f32 @!p0 [tilespmem:s22], [sflag:$0x2], $0x80, s24, s24, $0xb8;
	[tilespmem:$0x18140] =	vst v63  }
0x53: {  	s18 =	sadd.s32 $0x10, s18;
	_ =	swait.ge @!p0 [sflag:s20], $0x4000  }
0x54: {  	p2 =	sge.u32 s23, s5;
	s17 =	sadd.s32 $0x10, s17;
	[sflag:s20] =	ssyncset.done @!p0 $0x0  }
0x55: {  	s19 =	simm.s32 @!p2 $0x0;
	s21 =	simm.s32 @!p2 $0x3;
	[sflag:s20] =	ssyncadd.s32 @!p0 $0xFFFFC000  }
0x56: {  	[tilespmem:s19], [sflag:$0x3] =	stream.linear.gather @!p2 [hbm4b:s18+s19], $0x80, $0x38;
	[tilespmem:$0x18140] =	vst v63  }
0x57: {  	_ =	swait.ge @!p2 [sflag:s21], $0x80  }
0x58: {  	p0 =	por p2, p2;
	[sflag:s21] =	ssyncset.done @!p2 $0x0  }
0x59: {  	s18 =	simm.s32 @!p0 $0x80;
	[sflag:s21] =	ssyncadd.s32 @!p0 $0xFFFFFF80  }
0x5a: {  	[tilespmem:s18], [sflag:$0x3] =	stream.linear.gather @!p0 [hbm4b:s17+s19], $0x80, $0x38;
	[tilespmem:$0x18140] =	vst v63  }
0x5b: {  	_ =	swait.ge @!p0 [sflag:s21], $0x80  }
0x5c: {  	[sflag:s21] =	ssyncset.done @!p0 $0x0  }
0x5d: {  	s20 =	simm.s32 @!p0 $0x1;
	s17 =	simm.s32 @!p0 $0x100;
	[sflag:s21] =	ssyncadd.s32 @!p0 $0xFFFFFF80  }
0x5e: {  	[tilespmem:s17], [sflag:$0x1] =	stream.indirect.gather @!p0 [hbm4b:s4+s18], $0x80, s19, s18, $0xb8;
	[tilespmem:$0x18140] =	vst v63  }
0x5f: {  	_ =	swait.ge @!p0 [sflag:s20], $0x4000  }
0x60: {  	[sflag:s20] =	ssyncset.done @!p0 $0x0  }
0x61: {  	s19 =	simm.s32 @!p0 $0x2;
	[sflag:s20] =	ssyncadd.s32 @!p0 $0xFFFFC000  }
0x62: {  	[spmem:s2] =	stream.indirect.scatter.add.f32 @!p0 [tilespmem:s17], [sflag:$0x2], $0x80, s18, s18, $0xb8;
	[tilespmem:$0x18140] =	vst v63  }
0x63: {  	_ =	swait.ge @!p0 [sflag:s19], $0x4000  }
0x64: {  	s30 =	sshll.u32 s1, $0x6;
	s3 =	sadd.s32 $0x1, s3;
	[sflag:s19] =	ssyncset.done @!p0 $0x0  }
0x65: {  	s31 =	sshrl.u32 s6, $0x3;
	[sflag:s19] =	ssyncadd.s32 @!p0 $0xFFFFC000;
	p0 =	sne.s32 s3, s8  }
.Ltmp2:
0x66: {  	s17 =	sor.u32 $0x1C02, s30;
	[bflag:$0x0] =	sbarrier.arrive $0xFFFF;
	(pc) =	sbr.rel @p0 .LBB2_1-.Ltmp2, $4  }
0x67: {  	[hbm:s7], [sflag:s17] =	dma.local [spmem:s31], $0x2800  }
0x68: {  	_ =	swait.ge [sflag:s16], $0x2800  }
0x69: {  	[sflag:s16] =	ssyncset.done $0x0  }
0x6a: {  	[sflag:s16] =	ssyncadd.s32 $0xFFFFD800  }
0x6b: {  	_ =	sfence.sel $0x180000  }
0x6c: {  	[bflag:$0x0] =	sbarrier.arrive $0xFFFF  }
0x6d: {  	p0 =	sne.s32 s1, $0x0;
	_ =	strace $0x90000047  }
0x6e: {  	s0 =	sadd.s32 @!p0 $0x100000, s0;
	[bflag:$0x2] =	sbarrier.arrive $0xFFFF  }
0x6f: {  	[sflag:s0] =	ssyncadd.tile.s32 @!p0 $0x1;
	_ =	shalt  }
.Lfunc_end2:
_tile_overlayer_lowered:
.L_overlay_start_2:
0x70: {  	(tag) =	ssettag $0x2  }
0x71: {  	s0 =	rddreg [dreg:$0x0];
	s2 =	stileid.u32  }
0x72: {  	s1 =	rddreg [dreg:$0x1];
	p0 =	sne.s32 s2, $0x0  }
0x73: {  	s3 =	rddreg [dreg:$0x2];
	[bflag:$0x3] =	sbarrier.arrive $0xFFFF;
	s2 =	simm.s32 @!p0 $0x1C02  }
0x74: {  	[timem:s3], [sflag:s2] =	dma.local @!p0 [hbm:s0], s1  }
0x75: {  	s0 =	simm.s32 @!p0 $0x2  }
0x76: {  	_ =	swait.ge @!p0 [sflag:s0], s1  }
0x77: {  	s1 =	ssub.s32 @!p0 $0x0, s1;
	[sflag:s0] =	ssyncset.done @!p0 $0x0  }
0x78: {  	[sflag:s0] =	ssyncadd.s32 @!p0 s1  }
0x79: {  	[bflag:$0x3] =	sbarrier.arrive $0xFFFF  }
0x7a: {  	_ =	shalt  }

// kernel: kernel.13.cloned.1.call-start
scs
__scs_entry_jumppad:
0x0: {  	(pc) =	sbr.rel $0x88, $3  }
0x1: {  	(tag) =	ssettag $0x0;
	lr =	simm.s32 $0x1  }
0x2: {  	[smem:$0x3F88] =	sst lr;
	_ =	strace $0xD0000000  }
0x3: {  	_ = 	snop  }
0x4: {  	_ = 	snop  }
0x5: {  	_ = 	snop  }
0x6: {  	_ = 	snop  }
0x7: {  	_ = 	snop  }
__scs_overlays_trampoline_lowered:
0x8: {  	[smem:$0x3F97] =	sst s0  }
0x9: {  	[smem:$0x3F98] =	sst s1  }
0xa: {  	[smem:$0x3F99] =	sst s2  }
0xb: {  	[smem:$0x3F9A] =	sst s3  }
0xc: {  	[smem:$0x3F9B] =	sst s4  }
0xd: {  	[smem:$0x3F9C] =	sst s5  }
0xe: {  	[smem:$0x3F9D] =	sst s6  }
0xf: {  	[smem:$0x3F9E] =	sst s7  }
0x10: {  	[smem:$0x3F9F] =	sst s8  }
0x11: {  	[smem:$0x3FA0] =	sst s9;
	s0 =	simm.s32 @!p0 $0x0  }
0x12: {  	s1 =	sld [smem:$0x3F86];
	s0 =	simm.s32 @p0 $0x1  }
0x13: {  	[smem:$0x3FA1] =	sst s0;
	s0 =	simm.s32 @!p1 $0x0  }
0x14: {  	s2 =	sld [smem:$0x3F85];
	s0 =	simm.s32 @p1 $0x1  }
0x15: {  	[smem:$0x3FA2] =	sst s0;
	s0 =	simm.s32 @!p2 $0x0  }
0x16: {  	s3 =	sld [smem:$0x3FDB];
	s0 =	simm.s32 @p2 $0x1  }
0x17: {  	s4 =	simm.s32 $0x1BF5;
	[smem:$0x3FA4] =	sst s0  }
0x18: {  	s0 =	sld [smem:$0x3F87];
	_ =	swait.ge [sflag:s4], $0x0  }
0x19: {  	s7 =	sld [smem:$0x3F88]  }
0x1a: {  	s8 =	sadd.s32 $0xFFFFE003, lr  }
0x1b: {  	s9 =	sadd.s32 $0xFFFFFEF7, lr;
	s5 =	simm.s32 $0xFFFFFFFF;
	p2 =	slt.u32 s8, $0xFFFFF086  }
0x1c: {  	p1 =	slt.u32 s9, $0xF7A;
	s5 =	simm.s32 @!p2 $0x0  }
0x1d: {  	s5 =	simm.s32 @p1 $0x1;
	p0 =	seq.s32 s7, s2  }
0x1e: {  	s7 =	smul.u32 @!p0 $0xF7A, s2;
	p2 =	seq.s32 @!p0 s5, $0x0  }
0x1f: {  	s9 =	smul.u32 $0xF7A, s1;
	s8 =	simm.s32 @!p0 $0x1BF5;
	p2 =	por !p2, p0  }
0x20: {  	[sflag:s8] =	ssyncset.s32 @!p0 $0xFFFFF086;
	s6 =	sadd.s32 @!p0 s3, s7;
	s7 =	simm.s32 @!p0 $0x108  }
0x21: {  	s3 =	sadd.s32 s3, s9;
	s6 =	sadd.s32 @!p0 $0x88, s6;
	s7 =	simm.s32 @p2 $0x1082  }
0x22: {  	[simem:s7], [sflag:s8] =	dma.local @!p0 [hbm:s6], $0xF7A  }
0x23: {  	s9 =	sor.u32 $0xD0000000, s2;
	s6 =	simm.s32 $0x108;
	_ =	swait.ge @!p0 [sflag:s8], $0x0  }
0x24: {  	s3 =	sadd.s32 $0x88, s3;
	s6 =	simm.s32 @!p1 $0x1082;
	[sflag:s4] =	ssyncset.s32 $0xFFFFF086  }
0x25: {  	[simem:s6], [sflag:s4] =	dma.local [hbm:s3], $0xF7A  }
0x26: {  	[smem:$0x3F88] =	sst s1;
	(tag) =	ssettag s2;
	_ =	strace s9  }
0x27: {  	s1 =	sld [smem:$0x3F98]  }
0x28: {  	s2 =	sld [smem:$0x3F99]  }
0x29: {  	s4 =	sld [smem:$0x3F9B]  }
0x2a: {  	p0 =	seq.s32 s5, $0x0;
	s5 =	sld [smem:$0x3F9C]  }
0x2b: {  	s6 =	sld [smem:$0x3F9D]  }
0x2c: {  	s7 =	sld [smem:$0x3F9E]  }
0x2d: {  	s3 =	simm.s32 $0x108;
	s8 =	sld [smem:$0x3F9F]  }
0x2e: {  	s3 =	simm.s32 @!p0 $0x1082;
	s9 =	sld [smem:$0x3FA0]  }
0x2f: {  	lr =	sadd.s32 s0, s3;
	s0 =	sld [smem:$0x3F97]  }
0x30: {  	s3 =	sld [smem:$0x3F9A]  }
0x31: {  	[smem:$0x3FA3] =	sst s10  }
0x32: {  	s10 =	sld [smem:$0x3FA1];
	_ =	sdelay $0x3  }
0x33: {  	p0 =	seq.s32 s10, $0x1;
	s10 =	sld [smem:$0x3FA3];
	_ =	sdelay $0x3  }
0x34: {  	[smem:$0x3FA3] =	sst s10  }
0x35: {  	s10 =	sld [smem:$0x3FA2];
	_ =	sdelay $0x3  }
0x36: {  	p1 =	seq.s32 s10, $0x1;
	s10 =	sld [smem:$0x3FA3];
	_ =	sdelay $0x3  }
0x37: {  	[smem:$0x3FA3] =	sst s10  }
0x38: {  	s10 =	sld [smem:$0x3FA4]  }
0x39: {  	_ = 	snop;
	(pc) =	sbr.ind lr, $3  }
0x3a: {  	_ = 	snop  }
0x3b: {  	_ = 	snop  }
0x3c: {  	p2 =	seq.s32 s10, $0x1;
	s10 =	sld [smem:$0x3FA3]  }
0x3d: {  	_ =	shalt  }
0x3e: {  	_ =	shalt  }
0x3f: {  	_ =	shalt  }
0x40: {  	_ =	shalt  }
0x41: {  	_ =	shalt  }
0x42: {  	_ =	shalt  }
0x43: {  	_ =	shalt  }
0x44: {  	_ =	shalt  }
0x45: {  	_ =	shalt  }
0x46: {  	_ =	shalt  }
0x47: {  	_ =	shalt  }
0x48: {  	_ =	shalt  }
0x49: {  	_ =	shalt  }
0x4a: {  	_ =	shalt  }
0x4b: {  	_ =	shalt  }
0x4c: {  	_ =	shalt  }
0x4d: {  	_ =	shalt  }
0x4e: {  	_ =	shalt  }
0x4f: {  	_ =	shalt  }
0x50: {  	_ =	shalt  }
0x51: {  	_ =	shalt  }
0x52: {  	_ =	shalt  }
0x53: {  	_ =	shalt  }
0x54: {  	_ =	shalt  }
0x55: {  	_ =	shalt  }
0x56: {  	_ =	shalt  }
0x57: {  	_ =	shalt  }
0x58: {  	_ =	shalt  }
0x59: {  	_ =	shalt  }
0x5a: {  	_ =	shalt  }
0x5b: {  	_ =	shalt  }
0x5c: {  	_ =	shalt  }
0x5d: {  	_ =	shalt  }
0x5e: {  	_ =	shalt  }
0x5f: {  	_ =	shalt  }
0x60: {  	_ =	shalt  }
0x61: {  	_ =	shalt  }
0x62: {  	_ =	shalt  }
0x63: {  	_ =	shalt  }
0x64: {  	_ =	shalt  }
0x65: {  	_ =	shalt  }
0x66: {  	_ =	shalt  }
0x67: {  	_ =	shalt  }
0x68: {  	_ =	shalt  }
0x69: {  	_ =	shalt  }
0x6a: {  	_ =	shalt  }
0x6b: {  	_ =	shalt  }
0x6c: {  	_ =	shalt  }
0x6d: {  	_ =	shalt  }
0x6e: {  	_ =	shalt  }
0x6f: {  	_ =	shalt  }
0x70: {  	_ =	shalt  }
0x71: {  	_ =	shalt  }
0x72: {  	_ =	shalt  }
0x73: {  	_ =	shalt  }
0x74: {  	_ =	shalt  }
0x75: {  	_ =	shalt  }
0x76: {  	_ =	shalt  }
0x77: {  	_ =	shalt  }
0x78: {  	_ =	shalt  }
0x79: {  	_ =	shalt  }
0x7a: {  	_ =	shalt  }
0x7b: {  	_ =	shalt  }
0x7c: {  	_ =	shalt  }
0x7d: {  	_ =	shalt  }
0x7e: {  	_ =	shalt  }
0x7f: {  	_ =	shalt  }
0x80: {  	_ =	shalt  }
0x81: {  	_ =	shalt  }
0x82: {  	_ =	shalt  }
0x83: {  	_ =	shalt  }
0x84: {  	_ =	shalt  }
0x85: {  	_ =	shalt  }
0x86: {  	_ =	shalt  }
0x87: {  	_ =	shalt  }
.Lfunc_end0:
.L_simem_size_0:
called_computation.1_lowered:
.L_overlay_start_0:
0x88: {  	s2 =	sld [smem:$0x3FD9]  }
0x89: {  	s3 =	sld [smem:$0x3FFE];
	_ =	sdelay $0x1  }
0x8a: {  	s1 =	srdreg.scid  }
0x8b: {  	s0 =	sand.u32 $0x1, s1  }
0x8c: {  	s16 =	sshll.u32 s0, $0xA;
	s2 =	sadd.s32 s3, s2  }
0x8d: {  	s2 =	sadd.s32 s2, s16  }
0x8e: {  	[smem:$0x3FAF] =	sst s2  }
0x8f: {  	_ = 	snop  }
0x90: {  	(tm) =	ssettm $0x1  }
0x91: {  	s17 =	sld [smem:$0x3FFB];
	_ =	sdelay $0x3  }
0x92: {  	_ =	strace s17  }
0x93: {  	s2 =	sld [smem:$0x3FFC];
	_ =	sdelay $0x3  }
0x94: {  	_ =	strace s2  }
0x95: {  	s2 =	sld [smem:$0x3FFD];
	_ =	sdelay $0x3  }
0x96: {  	_ =	strace s2  }
0x97: {  	_ =	strace $0x8FFFFFFF  }
0x98: {  	s18 =	sld [smem:$0x3FDB];
	_ =	sdelay $0x1  }
0x99: {  	s19 =	simm.s32 $_scs_section_size  }
0x9a: {  	s4 =	simm.s32 $_size__tile_overlayer_lowered;
	s5 =	simm.s32 $_tile_overlayer_lowered  }
0x9b: {  	s22 =	simm.s32 $0x1BFF;
	s21 =	sshll.u32 s5, $0x1;
	s2 =	sadd.s32 s19, s18  }
0x9c: {  	s6 =	simm.s32 $0x0;
	s20 =	sshll.u32 s4, $0x1;
	s4 =	sadd.s32 s21, s2  }
0x9d: {  	[timem:s6], [sflag:s22] =	dma.local [hbm:s4], s20  }
0x9e: {  	_ =	swait.ge [sflag:s22], s20  }
0x9f: {  	s3 =	ssub.s32 $0x0, s20;
	[sflag:s22] =	ssyncset.done $0x0  }
0xa0: {  	[sflag:s22] =	ssyncadd.s32 s3;
	_ =	sdelay $0x1  }
0xa1: {  	s23 =	simm.s32 $0x1B8B  }
0xa2: {  	_ =	swait.ge [sflag:s23], $0x1  }
0xa3: {  	[sflag:s23] =	ssyncset.done $0x0  }
0xa4: {  	s25 =	simm.s32 $0x1B8E;
	s24 =	sld [smem:$0x3FFE];
	[sflag:s23] =	ssyncadd.s32 $0xFFFFFFFF  }
0xa5: {  	s26 =	simm.s32 $execute0_lowered;
	[smem:$0x3FD2] =	sst s25  }
0xa6: {  	s4 =	sshll.u32 s26, $0x1;
	_ =	strace $0x80000049;
	[dreg:$0x1] =	wrdreg $0xFFFFFFFF  }
0xa7: {  	s28 =	simm.s32 $_size_execute0_lowered;
	s2 =	sadd.s32 s2, s4;
	[dreg:$0x0] =	wrdreg $0x0  }
0xa8: {  	s4 =	sshll.u32 s28, $0x1;
	[dreg:$0x2] =	wrdreg s2  }
0xa9: {  	[dreg:$0x3] =	wrdreg s4  }
0xaa: {  	[dreg:$0x4] =	wrdreg $0xC0  }
0xab: {  	_ =	task [dreg:s6], $0x5FFFF  }
0xac: {  	[dreg:$0x1] =	wrdreg $0xFFFFFFFF  }
0xad: {  	[dreg:$0x0] =	wrdreg $0x60  }
0xae: {  	[dreg:$0x2] =	wrdreg s24  }
0xaf: {  	[dreg:$0x3] =	wrdreg $0x41000  }
0xb0: {  	[dreg:$0x4] =	wrdreg $0x9  }
0xb1: {  	_ =	task.clear_ibuf [dreg:s6], $0x5FFFF;
	_ =	strace $0x90000049  }
0xb2: {  	s29 =	simm.s32 $0x9;
	_ =	strace $0x8000004B  }
0xb3: {  	_ =	swait.ge [sflag:s29], $0x1  }
0xb4: {  	[sflag:s29] =	ssyncadd.s32 $0xFFFFFFFF  }
0xb5: {  	_ =	strace $0x9000004B  }
0xb6: {  	_ =	sfence  }
0xb7: {  	s30 =	sld [smem:$0x0];
	_ =	sdelay $0x2  }
0xb8: {  	s31 =	sshll.u32 s1, $0xD;
	s1 =	sshrl.u32 s1, $0x2  }
0xb9: {  	s3 =	sand.u32 $0x4000, s31;
	s1 =	sadd.s32 s1, s30  }
0xba: {  	s0 =	sor.u32 s3, s0;
	s1 =	sshll.u32 s1, $0x11  }
0xbb: {  	s0 =	sor.u32 s1, s0  }
0xbc: {  	s0 =	sadd.s32 $0x8F2B, s0  }
0xbd: {  	[sflag:s0] =	ssyncadd.remote.s32 $0x1  }
0xbe: {  	_ =	sfence.sel $0xFFFF  }
0xbf: {  	[dreg:$0x0] =	wrdreg $0xFFFFFFFF;
	(pc) =	sbr.abs _section_cstart, $3  }
0xc0: {  	[dreg:$0x1] =	wrdreg $0xFFFFFFFF  }
0xc1: {  	_ =	task.clear_ibuf [dreg:s6], $0x2FFFF;
	_ =	strace $0x9FFFFFFF  }
0xc2: {  	(tm) =	ssettm $0x7FFFFFFF  }
0xc3: {  	_ =	shalt  }
tec
execute0_lowered:
.L_overlay_start_1:
0x0: {  	(tag) =	ssettag $0x1  }
0x1: {  	s5 =	rddreg [dreg:$0x0]  }
0x2: {  	s2 =	rddreg [dreg:$0x1]  }
0x3: {  	s0 =	rddreg [dreg:$0x2];
	s1 =	stileid.u32  }
0x4: {  	s4 =	srdreg.scid;
	s6 =	smul.u32 $0x2300, s1  }
0x5: {  	s3 =	simm.s32 $0x0;
	s7 =	sand.u32 $0x1, s4;
	s4 =	smul.u32 $0x2B80, s1  }
0x6: {  	s15 =	simm.s32 $0x100;
	s16 =	simm.s32 $0x2;
	s9 =	smul.u32 $0x2800, s1  }
0x7: {  	[smem:$0x7FF] =	sst s3;
	s29 =	smul.u32 $0x50000, s1;
	p0 =	seq.s32 s7, $0x0  }
0x8: {  	s8 =	smul.u32 $0x28000, s7;
	_ =	strace $0x8000004A;
	s7 =	ssub.s32 $0x2, s7  }
0x9: {  	s6 =	sadd.s32 $0x2B800, s6;
	s30 =	sshrl.u32 s7, $0x1;
	s31 =	sshrl.u32 s29, $0x2  }
0xa: {  	s6 =	smov.u32 @p0 s4;
	s4 =	sadd.s32 $0x18E00, s5;
	s8 =	sadd.s32 s9, s8  }
0xb: {  	s10 =	ssub.s32 s7, s30;
	s6 =	sshrl.u32 s6, $0x3;
	s8 =	sadd.s32 s8, s5  }
0xc: {  	s14 =	sadd.s32 s6, s5;
	s5 =	simm.s32 $0x57;
	s6 =	sadd.s32 s31, s2  }
0xd: {  	s7 =	sadd.s32 $0x40E00, s8;
	s8 =	smax.u32 s10, $0x1;
	s5 =	simm.s32 @!p0 $0x46  }
0xe: {  	s9 =	sadd.s32 $0x4000, s6;
	s10 =	sadd.s32 $0x8000, s6;
	s11 =	sadd.s32 $0xC000, s6  }
0xf: {  	v0 =	vimm.f32 $0.0e+00;
	s12 =	sadd.s32 $0x10000, s6;
	s13 =	sadd.s32 $0xF000, s14;
	s14 =	sadd.s32 $0x5200, s14  }
.LBB2_1:
0x10: {  	s17 =	simm.s32 $0x0;
	s18 =	simm.s32 $0x200  }
.LBB2_2:
0x11: {  	p0 =	sne.s32 s18, $0xFE00;
	[tilespmem:s17+$0x170] =	vst v0  }
0x12: {  	[tilespmem:s17+$0x100] =	vst v0  }
0x13: {  	[tilespmem:s17+$0x110] =	vst v0  }
.Ltmp0:
0x14: {  	[tilespmem:s17+$0x120] =	vst v0;
	(pc) =	sbr.rel @p0 .LBB2_2-.Ltmp0, $4  }
0x15: {  	[tilespmem:s17+$0x130] =	vst v0  }
0x16: {  	[tilespmem:s17+$0x140] =	vst v0  }
0x17: {  	[tilespmem:s17+$0x150] =	vst v0  }
0x18: {  	[tilespmem:s17+$0x160] =	vst v0;
	s17 =	sshra.s32 s18, $0x2;
	s18 =	sadd.s32 $0x200, s18  }
0x19: {  	[tilespmem:s17+$0x170] =	vst v0  }
0x1a: {  	[tilespmem:s17+$0x100] =	vst v0  }
0x1b: {  	[tilespmem:s17+$0x110] =	vst v0  }
0x1c: {  	[tilespmem:s17+$0x120] =	vst v0  }
0x1d: {  	[tilespmem:s17+$0x130] =	vst v0  }
0x1e: {  	[tilespmem:s17+$0x140] =	vst v0  }
0x1f: {  	[tilespmem:s17+$0x150] =	vst v0  }
0x20: {  	[tilespmem:s17+$0x160] =	vst v0  }
0x21: {  	[spmem:s6] =	stream.linear.scatter [tilespmem:s15], [sflag:$0x2], $0x4000, $0x38;
	[tilespmem:$0x18140] =	vst v63  }
0x22: {  	_ =	swait.ge [sflag:s16], $0x4000  }
0x23: {  	[sflag:s16] =	ssyncset.done $0x0  }
0x24: {  	[sflag:s16] =	ssyncadd.s32 $0xFFFFC000  }
0x25: {  	[spmem:s9] =	stream.linear.scatter [tilespmem:s15], [sflag:$0x2], $0x4000, $0x38;
	[tilespmem:$0x18140] =	vst v63  }
0x26: {  	_ =	swait.ge [sflag:s16], $0x4000  }
0x27: {  	[sflag:s16] =	ssyncset.done $0x0  }
0x28: {  	[sflag:s16] =	ssyncadd.s32 $0xFFFFC000  }
0x29: {  	[spmem:s10] =	stream.linear.scatter [tilespmem:s15], [sflag:$0x2], $0x4000, $0x38;
	[tilespmem:$0x18140] =	vst v63  }
0x2a: {  	_ =	swait.ge [sflag:s16], $0x4000  }
0x2b: {  	[sflag:s16] =	ssyncset.done $0x0  }
0x2c: {  	[sflag:s16] =	ssyncadd.s32 $0xFFFFC000  }
0x2d: {  	[spmem:s11] =	stream.linear.scatter [tilespmem:s15], [sflag:$0x2], $0x4000, $0x38;
	[tilespmem:$0x18140] =	vst v63  }
0x2e: {  	_ =	swait.ge [sflag:s16], $0x4000  }
0x2f: {  	[sflag:s16] =	ssyncset.done $0x0  }
0x30: {  	[sflag:s16] =	ssyncadd.s32 $0xFFFFC000  }
0x31: {  	[spmem:s12] =	stream.linear.scatter [tilespmem:s15], [sflag:$0x2], $0x4000, $0x38;
	[tilespmem:$0x18140] =	vst v63  }
0x32: {  	_ =	swait.ge [sflag:s16], $0x4000  }
0x33: {  	[sflag:s16] =	ssyncset.done $0x0  }
0x34: {  	p0 =	sle.u32 s5, $0x0;
	[sflag:s16] =	ssyncadd.s32 $0xFFFFC000  }
0x35: {  	s17 =	simm.s32 @!p0 $0x0;
	s18 =	simm.s32 @!p0 $0x3;
	[bflag:$0x0] =	sbarrier.arrive $0xFFFF  }
0x36: {  	[tilespmem:s17], [sflag:$0x3] =	stream.linear.gather @!p0 [hbm4b:s14+s17], $0x80, $0x38;
	[tilespmem:$0x18140] =	vst v63  }
0x37: {  	_ =	swait.ge @!p0 [sflag:s18], $0x80  }
0x38: {  	[sflag:s18] =	ssyncset.done @!p0 $0x0;
	p0 =	por p0, p0  }
0x39: {  	[sflag:s18] =	ssyncadd.s32 @!p0 $0xFFFFFF80;
	s19 =	simm.s32 @!p0 $0x80  }
0x3a: {  	[tilespmem:s19], [sflag:$0x3] =	stream.linear.gather @!p0 [hbm4b:s13+s17], $0x80, $0x38;
	[tilespmem:$0x18140] =	vst v63  }
0x3b: {  	_ =	swait.ge @!p0 [sflag:s18], $0x80  }
0x3c: {  	[sflag:s18] =	ssyncset.done @!p0 $0x0  }
0x3d: {  	s20 =	simm.s32 @!p0 $0x1;
	[sflag:s18] =	ssyncadd.s32 @!p0 $0xFFFFFF80;
	s18 =	simm.s32 @!p0 $0x100  }
0x3e: {  	[tilespmem:s18], [sflag:$0x1] =	stream.indirect.gather @!p0 [hbm4b:s4+s19], $0x80, s17, s19, $0xb8;
	[tilespmem:$0x18140] =	vst v63  }
0x3f: {  	_ =	swait.ge @!p0 [sflag:s20], $0x4000  }
0x40: {  	[sflag:s20] =	ssyncset.done @!p0 $0x0  }
0x41: {  	[sflag:s20] =	ssyncadd.s32 @!p0 $0xFFFFC000;
	s20 =	simm.s32 @!p0 $0x2  }
0x42: {  	[spmem:s2] =	stream.indirect.scatter.add.f32 @!p0 [tilespmem:s18], [sflag:$0x2], $0x80, s19, s19, $0xb8;
	[tilespmem:$0x18140] =	vst v63  }
0x43: {  	p2 =	sle.u32 s5, $0x1;
	s17 =	sadd.s32 $0x10, s13;
	_ =	swait.ge @!p0 [sflag:s20], $0x4000  }
0x44: {  	s19 =	simm.s32 $0x2;
	s18 =	sadd.s32 $0x10, s14;
	[sflag:s20] =	ssyncset.done @!p0 $0x0  }
.LBB2_4:
0x45: {  	s21 =	simm.s32 @!p2 $0x0;
	s22 =	simm.s32 @!p2 $0x3;
	[sflag:s20] =	ssyncadd.s32 @!p0 $0xFFFFC000  }
0x46: {  	[tilespmem:s21], [sflag:$0x3] =	stream.linear.gather @!p2 [hbm4b:s18+s21], $0x80, $0x38;
	[tilespmem:$0x18140] =	vst v63  }
0x47: {  	s23 =	smov.u32 s19;
	s19 =	sadd.s32 $0x1, s19;
	_ =	swait.ge @!p2 [sflag:s22], $0x80  }
0x48: {  	p0 =	por p2, p2;
	p1 =	sne.s32 s19, $0x57;
	[sflag:s22] =	ssyncset.done @!p2 $0x0  }
0x49: {  	s24 =	simm.s32 @!p0 $0x80;
	[sflag:s22] =	ssyncadd.s32 @!p0 $0xFFFFFF80  }
0x4a: {  	[tilespmem:s24], [sflag:$0x3] =	stream.linear.gather @!p0 [hbm4b:s17+s21], $0x80, $0x38;
	[tilespmem:$0x18140] =	vst v63  }
0x4b: {  	_ =	swait.ge @!p0 [sflag:s22], $0x80  }
0x4c: {  	[sflag:s22] =	ssyncset.done @!p0 $0x0  }
0x4d: {  	s20 =	simm.s32 @!p0 $0x1;
	[sflag:s22] =	ssyncadd.s32 @!p0 $0xFFFFFF80;
	s22 =	simm.s32 @!p0 $0x100  }
0x4e: {  	[tilespmem:s22], [sflag:$0x1] =	stream.indirect.gather @!p0 [hbm4b:s4+s24], $0x80, s21, s24, $0xb8;
	[tilespmem:$0x18140] =	vst v63  }
0x4f: {  	_ =	swait.ge @!p0 [sflag:s20], $0x4000  }
.Ltmp1:
0x50: {  	[sflag:s20] =	ssyncset.done @!p0 $0x0;
	(pc) =	sbr.rel @p1 .LBB2_4-.Ltmp1, $4  }
0x51: {  	[sflag:s20] =	ssyncadd.s32 @!p0 $0xFFFFC000;
	s20 =	simm.s32 @!p0 $0x2  }
0x52: {  	[spmem:s2] =	stream.indirect.scatter.add.f32 @!p0 [tilespmem:s22], [sflag:$0x2], $0x80, s24, s24, $0xb8;
	[tilespmem:$0x18140] =	vst v63  }
0x53: {  	s18 =	sadd.s32 $0x10, s18;
	_ =	swait.ge @!p0 [sflag:s20], $0x4000  }
0x54: {  	p2 =	sge.u32 s23, s5;
	s17 =	sadd.s32 $0x10, s17;
	[sflag:s20] =	ssyncset.done @!p0 $0x0  }
0x55: {  	s19 =	simm.s32 @!p2 $0x0;
	s21 =	simm.s32 @!p2 $0x3;
	[sflag:s20] =	ssyncadd.s32 @!p0 $0xFFFFC000  }
0x56: {  	[tilespmem:s19], [sflag:$0x3] =	stream.linear.gather @!p2 [hbm4b:s18+s19], $0x80, $0x38;
	[tilespmem:$0x18140] =	vst v63  }
0x57: {  	_ =	swait.ge @!p2 [sflag:s21], $0x80  }
0x58: {  	p0 =	por p2, p2;
	[sflag:s21] =	ssyncset.done @!p2 $0x0  }
0x59: {  	s18 =	simm.s32 @!p0 $0x80;
	[sflag:s21] =	ssyncadd.s32 @!p0 $0xFFFFFF80  }
0x5a: {  	[tilespmem:s18], [sflag:$0x3] =	stream.linear.gather @!p0 [hbm4b:s17+s19], $0x80, $0x38;
	[tilespmem:$0x18140] =	vst v63  }
0x5b: {  	_ =	swait.ge @!p0 [sflag:s21], $0x80  }
0x5c: {  	[sflag:s21] =	ssyncset.done @!p0 $0x0  }
0x5d: {  	s20 =	simm.s32 @!p0 $0x1;
	s17 =	simm.s32 @!p0 $0x100;
	[sflag:s21] =	ssyncadd.s32 @!p0 $0xFFFFFF80  }
0x5e: {  	[tilespmem:s17], [sflag:$0x1] =	stream.indirect.gather @!p0 [hbm4b:s4+s18], $0x80, s19, s18, $0xb8;
	[tilespmem:$0x18140] =	vst v63  }
0x5f: {  	_ =	swait.ge @!p0 [sflag:s20], $0x4000  }
0x60: {  	[sflag:s20] =	ssyncset.done @!p0 $0x0  }
0x61: {  	s19 =	simm.s32 @!p0 $0x2;
	[sflag:s20] =	ssyncadd.s32 @!p0 $0xFFFFC000  }
0x62: {  	[spmem:s2] =	stream.indirect.scatter.add.f32 @!p0 [tilespmem:s17], [sflag:$0x2], $0x80, s18, s18, $0xb8;
	[tilespmem:$0x18140] =	vst v63  }
0x63: {  	_ =	swait.ge @!p0 [sflag:s19], $0x4000  }
0x64: {  	s30 =	sshll.u32 s1, $0x6;
	s3 =	sadd.s32 $0x1, s3;
	[sflag:s19] =	ssyncset.done @!p0 $0x0  }
0x65: {  	s31 =	sshrl.u32 s6, $0x3;
	[sflag:s19] =	ssyncadd.s32 @!p0 $0xFFFFC000;
	p0 =	sne.s32 s3, s8  }
.Ltmp2:
0x66: {  	s17 =	sor.u32 $0x1C02, s30;
	[bflag:$0x0] =	sbarrier.arrive $0xFFFF;
	(pc) =	sbr.rel @p0 .LBB2_1-.Ltmp2, $4  }
0x67: {  	[hbm:s7], [sflag:s17] =	dma.local [spmem:s31], $0x2800  }
0x68: {  	_ =	swait.ge [sflag:s16], $0x2800  }
0x69: {  	[sflag:s16] =	ssyncset.done $0x0  }
0x6a: {  	[sflag:s16] =	ssyncadd.s32 $0xFFFFD800  }
0x6b: {  	_ =	sfence.sel $0x180000  }
0x6c: {  	[bflag:$0x0] =	sbarrier.arrive $0xFFFF  }
0x6d: {  	p0 =	sne.s32 s1, $0x0;
	_ =	strace $0x9000004A  }
0x6e: {  	s0 =	sadd.s32 @!p0 $0x100000, s0;
	[bflag:$0x2] =	sbarrier.arrive $0xFFFF  }
0x6f: {  	[sflag:s0] =	ssyncadd.tile.s32 @!p0 $0x1;
	_ =	shalt  }
.Lfunc_end2:
_tile_overlayer_lowered:
.L_overlay_start_2:
0x70: {  	(tag) =	ssettag $0x2  }
0x71: {  	s0 =	rddreg [dreg:$0x0];
	s2 =	stileid.u32  }
0x72: {  	s1 =	rddreg [dreg:$0x1];
	p0 =	sne.s32 s2, $0x0  }
0x73: {  	s3 =	rddreg [dreg:$0x2];
	[bflag:$0x3] =	sbarrier.arrive $0xFFFF;
	s2 =	simm.s32 @!p0 $0x1C02  }
0x74: {  	[timem:s3], [sflag:s2] =	dma.local @!p0 [hbm:s0], s1  }
0x75: {  	s0 =	simm.s32 @!p0 $0x2  }
0x76: {  	_ =	swait.ge @!p0 [sflag:s0], s1  }
0x77: {  	s1 =	ssub.s32 @!p0 $0x0, s1;
	[sflag:s0] =	ssyncset.done @!p0 $0x0  }
0x78: {  	[sflag:s0] =	ssyncadd.s32 @!p0 s1  }
0x79: {  	[bflag:$0x3] =	sbarrier.arrive $0xFFFF  }
0x7a: {  	_ =	shalt  }

// kernel: kernel.16.cloned.1.call-start
scs
__scs_entry_jumppad:
0x0: {  	(pc) =	sbr.rel $0x88, $3  }
0x1: {  	(tag) =	ssettag $0x0;
	lr =	simm.s32 $0x1  }
0x2: {  	[smem:$0x3F88] =	sst lr;
	_ =	strace $0xD0000000  }
0x3: {  	_ = 	snop  }
0x4: {  	_ = 	snop  }
0x5: {  	_ = 	snop  }
0x6: {  	_ = 	snop  }
0x7: {  	_ = 	snop  }
__scs_overlays_trampoline_lowered:
0x8: {  	[smem:$0x3F97] =	sst s0  }
0x9: {  	[smem:$0x3F98] =	sst s1  }
0xa: {  	[smem:$0x3F99] =	sst s2  }
0xb: {  	[smem:$0x3F9A] =	sst s3  }
0xc: {  	[smem:$0x3F9B] =	sst s4  }
0xd: {  	[smem:$0x3F9C] =	sst s5  }
0xe: {  	[smem:$0x3F9D] =	sst s6  }
0xf: {  	[smem:$0x3F9E] =	sst s7  }
0x10: {  	[smem:$0x3F9F] =	sst s8  }
0x11: {  	[smem:$0x3FA0] =	sst s9;
	s0 =	simm.s32 @!p0 $0x0  }
0x12: {  	s1 =	sld [smem:$0x3F86];
	s0 =	simm.s32 @p0 $0x1  }
0x13: {  	[smem:$0x3FA1] =	sst s0;
	s0 =	simm.s32 @!p1 $0x0  }
0x14: {  	s2 =	sld [smem:$0x3F85];
	s0 =	simm.s32 @p1 $0x1  }
0x15: {  	[smem:$0x3FA2] =	sst s0;
	s0 =	simm.s32 @!p2 $0x0  }
0x16: {  	s3 =	sld [smem:$0x3FDB];
	s0 =	simm.s32 @p2 $0x1  }
0x17: {  	s4 =	simm.s32 $0x1BF5;
	[smem:$0x3FA4] =	sst s0  }
0x18: {  	s0 =	sld [smem:$0x3F87];
	_ =	swait.ge [sflag:s4], $0x0  }
0x19: {  	s7 =	sld [smem:$0x3F88]  }
0x1a: {  	s8 =	sadd.s32 $0xFFFFE003, lr  }
0x1b: {  	s9 =	sadd.s32 $0xFFFFFEF7, lr;
	s5 =	simm.s32 $0xFFFFFFFF;
	p2 =	slt.u32 s8, $0xFFFFF086  }
0x1c: {  	p1 =	slt.u32 s9, $0xF7A;
	s5 =	simm.s32 @!p2 $0x0  }
0x1d: {  	s5 =	simm.s32 @p1 $0x1;
	p0 =	seq.s32 s7, s2  }
0x1e: {  	s7 =	smul.u32 @!p0 $0xF7A, s2;
	p2 =	seq.s32 @!p0 s5, $0x0  }
0x1f: {  	s9 =	smul.u32 $0xF7A, s1;
	s8 =	simm.s32 @!p0 $0x1BF5;
	p2 =	por !p2, p0  }
0x20: {  	[sflag:s8] =	ssyncset.s32 @!p0 $0xFFFFF086;
	s6 =	sadd.s32 @!p0 s3, s7;
	s7 =	simm.s32 @!p0 $0x108  }
0x21: {  	s3 =	sadd.s32 s3, s9;
	s6 =	sadd.s32 @!p0 $0x88, s6;
	s7 =	simm.s32 @p2 $0x1082  }
0x22: {  	[simem:s7], [sflag:s8] =	dma.local @!p0 [hbm:s6], $0xF7A  }
0x23: {  	s9 =	sor.u32 $0xD0000000, s2;
	s6 =	simm.s32 $0x108;
	_ =	swait.ge @!p0 [sflag:s8], $0x0  }
0x24: {  	s3 =	sadd.s32 $0x88, s3;
	s6 =	simm.s32 @!p1 $0x1082;
	[sflag:s4] =	ssyncset.s32 $0xFFFFF086  }
0x25: {  	[simem:s6], [sflag:s4] =	dma.local [hbm:s3], $0xF7A  }
0x26: {  	[smem:$0x3F88] =	sst s1;
	(tag) =	ssettag s2;
	_ =	strace s9  }
0x27: {  	s1 =	sld [smem:$0x3F98]  }
0x28: {  	s2 =	sld [smem:$0x3F99]  }
0x29: {  	s4 =	sld [smem:$0x3F9B]  }
0x2a: {  	p0 =	seq.s32 s5, $0x0;
	s5 =	sld [smem:$0x3F9C]  }
0x2b: {  	s6 =	sld [smem:$0x3F9D]  }
0x2c: {  	s7 =	sld [smem:$0x3F9E]  }
0x2d: {  	s3 =	simm.s32 $0x108;
	s8 =	sld [smem:$0x3F9F]  }
0x2e: {  	s3 =	simm.s32 @!p0 $0x1082;
	s9 =	sld [smem:$0x3FA0]  }
0x2f: {  	lr =	sadd.s32 s0, s3;
	s0 =	sld [smem:$0x3F97]  }
0x30: {  	s3 =	sld [smem:$0x3F9A]  }
0x31: {  	[smem:$0x3FA3] =	sst s10  }
0x32: {  	s10 =	sld [smem:$0x3FA1];
	_ =	sdelay $0x3  }
0x33: {  	p0 =	seq.s32 s10, $0x1;
	s10 =	sld [smem:$0x3FA3];
	_ =	sdelay $0x3  }
0x34: {  	[smem:$0x3FA3] =	sst s10  }
0x35: {  	s10 =	sld [smem:$0x3FA2];
	_ =	sdelay $0x3  }
0x36: {  	p1 =	seq.s32 s10, $0x1;
	s10 =	sld [smem:$0x3FA3];
	_ =	sdelay $0x3  }
0x37: {  	[smem:$0x3FA3] =	sst s10  }
0x38: {  	s10 =	sld [smem:$0x3FA4]  }
0x39: {  	_ = 	snop;
	(pc) =	sbr.ind lr, $3  }
0x3a: {  	_ = 	snop  }
0x3b: {  	_ = 	snop  }
0x3c: {  	p2 =	seq.s32 s10, $0x1;
	s10 =	sld [smem:$0x3FA3]  }
0x3d: {  	_ =	shalt  }
0x3e: {  	_ =	shalt  }
0x3f: {  	_ =	shalt  }
0x40: {  	_ =	shalt  }
0x41: {  	_ =	shalt  }
0x42: {  	_ =	shalt  }
0x43: {  	_ =	shalt  }
0x44: {  	_ =	shalt  }
0x45: {  	_ =	shalt  }
0x46: {  	_ =	shalt  }
0x47: {  	_ =	shalt  }
0x48: {  	_ =	shalt  }
0x49: {  	_ =	shalt  }
0x4a: {  	_ =	shalt  }
0x4b: {  	_ =	shalt  }
0x4c: {  	_ =	shalt  }
0x4d: {  	_ =	shalt  }
0x4e: {  	_ =	shalt  }
0x4f: {  	_ =	shalt  }
0x50: {  	_ =	shalt  }
0x51: {  	_ =	shalt  }
0x52: {  	_ =	shalt  }
0x53: {  	_ =	shalt  }
0x54: {  	_ =	shalt  }
0x55: {  	_ =	shalt  }
0x56: {  	_ =	shalt  }
0x57: {  	_ =	shalt  }
0x58: {  	_ =	shalt  }
0x59: {  	_ =	shalt  }
0x5a: {  	_ =	shalt  }
0x5b: {  	_ =	shalt  }
0x5c: {  	_ =	shalt  }
0x5d: {  	_ =	shalt  }
0x5e: {  	_ =	shalt  }
0x5f: {  	_ =	shalt  }
0x60: {  	_ =	shalt  }
0x61: {  	_ =	shalt  }
0x62: {  	_ =	shalt  }
0x63: {  	_ =	shalt  }
0x64: {  	_ =	shalt  }
0x65: {  	_ =	shalt  }
0x66: {  	_ =	shalt  }
0x67: {  	_ =	shalt  }
0x68: {  	_ =	shalt  }
0x69: {  	_ =	shalt  }
0x6a: {  	_ =	shalt  }
0x6b: {  	_ =	shalt  }
0x6c: {  	_ =	shalt  }
0x6d: {  	_ =	shalt  }
0x6e: {  	_ =	shalt  }
0x6f: {  	_ =	shalt  }
0x70: {  	_ =	shalt  }
0x71: {  	_ =	shalt  }
0x72: {  	_ =	shalt  }
0x73: {  	_ =	shalt  }
0x74: {  	_ =	shalt  }
0x75: {  	_ =	shalt  }
0x76: {  	_ =	shalt  }
0x77: {  	_ =	shalt  }
0x78: {  	_ =	shalt  }
0x79: {  	_ =	shalt  }
0x7a: {  	_ =	shalt  }
0x7b: {  	_ =	shalt  }
0x7c: {  	_ =	shalt  }
0x7d: {  	_ =	shalt  }
0x7e: {  	_ =	shalt  }
0x7f: {  	_ =	shalt  }
0x80: {  	_ =	shalt  }
0x81: {  	_ =	shalt  }
0x82: {  	_ =	shalt  }
0x83: {  	_ =	shalt  }
0x84: {  	_ =	shalt  }
0x85: {  	_ =	shalt  }
0x86: {  	_ =	shalt  }
0x87: {  	_ =	shalt  }
.Lfunc_end0:
.L_simem_size_0:
called_computation.2_lowered:
.L_overlay_start_0:
0x88: {  	s2 =	sld [smem:$0x3FD9]  }
0x89: {  	s3 =	sld [smem:$0x3FFE];
	_ =	sdelay $0x1  }
0x8a: {  	s1 =	srdreg.scid  }
0x8b: {  	s0 =	sand.u32 $0x1, s1  }
0x8c: {  	s16 =	sshll.u32 s0, $0xA;
	s2 =	sadd.s32 s3, s2  }
0x8d: {  	s2 =	sadd.s32 s2, s16  }
0x8e: {  	[smem:$0x3FAF] =	sst s2  }
0x8f: {  	_ = 	snop  }
0x90: {  	(tm) =	ssettm $0x1  }
0x91: {  	s17 =	sld [smem:$0x3FFB];
	_ =	sdelay $0x3  }
0x92: {  	_ =	strace s17  }
0x93: {  	s2 =	sld [smem:$0x3FFC];
	_ =	sdelay $0x3  }
0x94: {  	_ =	strace s2  }
0x95: {  	s2 =	sld [smem:$0x3FFD];
	_ =	sdelay $0x3  }
0x96: {  	_ =	strace s2  }
0x97: {  	_ =	strace $0x8FFFFFFF  }
0x98: {  	s18 =	sld [smem:$0x3FDB];
	_ =	sdelay $0x1  }
0x99: {  	s19 =	simm.s32 $_scs_section_size  }
0x9a: {  	s4 =	simm.s32 $_size__tile_overlayer_lowered;
	s5 =	simm.s32 $_tile_overlayer_lowered  }
0x9b: {  	s22 =	simm.s32 $0x1BFF;
	s21 =	sshll.u32 s5, $0x1;
	s2 =	sadd.s32 s19, s18  }
0x9c: {  	s6 =	simm.s32 $0x0;
	s20 =	sshll.u32 s4, $0x1;
	s4 =	sadd.s32 s21, s2  }
0x9d: {  	[timem:s6], [sflag:s22] =	dma.local [hbm:s4], s20  }
0x9e: {  	_ =	swait.ge [sflag:s22], s20  }
0x9f: {  	s3 =	ssub.s32 $0x0, s20;
	[sflag:s22] =	ssyncset.done $0x0  }
0xa0: {  	[sflag:s22] =	ssyncadd.s32 s3;
	_ =	sdelay $0x1  }
0xa1: {  	s23 =	simm.s32 $0x1B8B  }
0xa2: {  	_ =	swait.ge [sflag:s23], $0x1  }
0xa3: {  	[sflag:s23] =	ssyncset.done $0x0  }
0xa4: {  	s25 =	simm.s32 $0x1B8E;
	s24 =	sld [smem:$0x3FFE];
	[sflag:s23] =	ssyncadd.s32 $0xFFFFFFFF  }
0xa5: {  	s26 =	simm.s32 $execute0_lowered;
	[smem:$0x3FD2] =	sst s25  }
0xa6: {  	s4 =	sshll.u32 s26, $0x1;
	_ =	strace $0x8000004C;
	[dreg:$0x1] =	wrdreg $0xFFFFFFFF  }
0xa7: {  	s28 =	simm.s32 $_size_execute0_lowered;
	s2 =	sadd.s32 s2, s4;
	[dreg:$0x0] =	wrdreg $0x0  }
0xa8: {  	s4 =	sshll.u32 s28, $0x1;
	[dreg:$0x2] =	wrdreg s2  }
0xa9: {  	[dreg:$0x3] =	wrdreg s4  }
0xaa: {  	[dreg:$0x4] =	wrdreg $0xC0  }
0xab: {  	_ =	task [dreg:s6], $0x5FFFF  }
0xac: {  	[dreg:$0x1] =	wrdreg $0xFFFFFFFF  }
0xad: {  	[dreg:$0x0] =	wrdreg $0x60  }
0xae: {  	[dreg:$0x2] =	wrdreg s24  }
0xaf: {  	[dreg:$0x3] =	wrdreg $0x41000  }
0xb0: {  	[dreg:$0x4] =	wrdreg $0x9  }
0xb1: {  	_ =	task.clear_ibuf [dreg:s6], $0x5FFFF;
	_ =	strace $0x9000004C  }
0xb2: {  	s29 =	simm.s32 $0x9;
	_ =	strace $0x8000004E  }
0xb3: {  	_ =	swait.ge [sflag:s29], $0x1  }
0xb4: {  	[sflag:s29] =	ssyncadd.s32 $0xFFFFFFFF  }
0xb5: {  	_ =	strace $0x9000004E  }
0xb6: {  	_ =	sfence  }
0xb7: {  	s30 =	sld [smem:$0x0];
	_ =	sdelay $0x2  }
0xb8: {  	s31 =	sshll.u32 s1, $0xD;
	s1 =	sshrl.u32 s1, $0x2  }
0xb9: {  	s3 =	sand.u32 $0x4000, s31;
	s1 =	sadd.s32 s1, s30  }
0xba: {  	s0 =	sor.u32 s3, s0;
	s1 =	sshll.u32 s1, $0x11  }
0xbb: {  	s0 =	sor.u32 s1, s0  }
0xbc: {  	s0 =	sadd.s32 $0x8F2B, s0  }
0xbd: {  	[sflag:s0] =	ssyncadd.remote.s32 $0x1  }
0xbe: {  	_ =	sfence.sel $0xFFFF  }
0xbf: {  	[dreg:$0x0] =	wrdreg $0xFFFFFFFF;
	(pc) =	sbr.abs _section_cstart, $3  }
0xc0: {  	[dreg:$0x1] =	wrdreg $0xFFFFFFFF  }
0xc1: {  	_ =	task.clear_ibuf [dreg:s6], $0x2FFFF;
	_ =	strace $0x9FFFFFFF  }
0xc2: {  	(tm) =	ssettm $0x7FFFFFFF  }
0xc3: {  	_ =	shalt  }
tec
execute0_lowered:
.L_overlay_start_1:
0x0: {  	(tag) =	ssettag $0x1  }
0x1: {  	s5 =	rddreg [dreg:$0x0]  }
0x2: {  	s2 =	rddreg [dreg:$0x1]  }
0x3: {  	s0 =	rddreg [dreg:$0x2];
	s1 =	stileid.u32  }
0x4: {  	s4 =	srdreg.scid;
	s6 =	smul.u32 $0x2300, s1  }
0x5: {  	s3 =	simm.s32 $0x0;
	s7 =	sand.u32 $0x1, s4;
	s4 =	smul.u32 $0x2B80, s1  }
0x6: {  	s15 =	simm.s32 $0x100;
	s16 =	simm.s32 $0x2;
	s9 =	smul.u32 $0x2800, s1  }
0x7: {  	[smem:$0x7FF] =	sst s3;
	s29 =	smul.u32 $0x50000, s1;
	p0 =	seq.s32 s7, $0x0  }
0x8: {  	s8 =	smul.u32 $0x28000, s7;
	_ =	strace $0x8000004D;
	s7 =	ssub.s32 $0x2, s7  }
0x9: {  	s6 =	sadd.s32 $0x2B800, s6;
	s30 =	sshrl.u32 s7, $0x1;
	s31 =	sshrl.u32 s29, $0x2  }
0xa: {  	s6 =	smov.u32 @p0 s4;
	s4 =	sadd.s32 $0x18E00, s5;
	s8 =	sadd.s32 s9, s8  }
0xb: {  	s10 =	ssub.s32 s7, s30;
	s6 =	sshrl.u32 s6, $0x3;
	s8 =	sadd.s32 s8, s5  }
0xc: {  	s14 =	sadd.s32 s6, s5;
	s5 =	simm.s32 $0x57;
	s6 =	sadd.s32 s31, s2  }
0xd: {  	s7 =	sadd.s32 $0x40E00, s8;
	s8 =	smax.u32 s10, $0x1;
	s5 =	simm.s32 @!p0 $0x46  }
0xe: {  	s9 =	sadd.s32 $0x4000, s6;
	s10 =	sadd.s32 $0x8000, s6;
	s11 =	sadd.s32 $0xC000, s6  }
0xf: {  	v0 =	vimm.f32 $0.0e+00;
	s12 =	sadd.s32 $0x10000, s6;
	s13 =	sadd.s32 $0xF000, s14;
	s14 =	sadd.s32 $0x5200, s14  }
.LBB2_1:
0x10: {  	s17 =	simm.s32 $0x0;
	s18 =	simm.s32 $0x200  }
.LBB2_2:
0x11: {  	p0 =	sne.s32 s18, $0xFE00;
	[tilespmem:s17+$0x170] =	vst v0  }
0x12: {  	[tilespmem:s17+$0x100] =	vst v0  }
0x13: {  	[tilespmem:s17+$0x110] =	vst v0  }
.Ltmp0:
0x14: {  	[tilespmem:s17+$0x120] =	vst v0;
	(pc) =	sbr.rel @p0 .LBB2_2-.Ltmp0, $4  }
0x15: {  	[tilespmem:s17+$0x130] =	vst v0  }
0x16: {  	[tilespmem:s17+$0x140] =	vst v0  }
0x17: {  	[tilespmem:s17+$0x150] =	vst v0  }
0x18: {  	[tilespmem:s17+$0x160] =	vst v0;
	s17 =	sshra.s32 s18, $0x2;
	s18 =	sadd.s32 $0x200, s18  }
0x19: {  	[tilespmem:s17+$0x170] =	vst v0  }
0x1a: {  	[tilespmem:s17+$0x100] =	vst v0  }
0x1b: {  	[tilespmem:s17+$0x110] =	vst v0  }
0x1c: {  	[tilespmem:s17+$0x120] =	vst v0  }
0x1d: {  	[tilespmem:s17+$0x130] =	vst v0  }
0x1e: {  	[tilespmem:s17+$0x140] =	vst v0  }
0x1f: {  	[tilespmem:s17+$0x150] =	vst v0  }
0x20: {  	[tilespmem:s17+$0x160] =	vst v0  }
0x21: {  	[spmem:s6] =	stream.linear.scatter [tilespmem:s15], [sflag:$0x2], $0x4000, $0x38;
	[tilespmem:$0x18140] =	vst v63  }
0x22: {  	_ =	swait.ge [sflag:s16], $0x4000  }
0x23: {  	[sflag:s16] =	ssyncset.done $0x0  }
0x24: {  	[sflag:s16] =	ssyncadd.s32 $0xFFFFC000  }
0x25: {  	[spmem:s9] =	stream.linear.scatter [tilespmem:s15], [sflag:$0x2], $0x4000, $0x38;
	[tilespmem:$0x18140] =	vst v63  }
0x26: {  	_ =	swait.ge [sflag:s16], $0x4000  }
0x27: {  	[sflag:s16] =	ssyncset.done $0x0  }
0x28: {  	[sflag:s16] =	ssyncadd.s32 $0xFFFFC000  }
0x29: {  	[spmem:s10] =	stream.linear.scatter [tilespmem:s15], [sflag:$0x2], $0x4000, $0x38;
	[tilespmem:$0x18140] =	vst v63  }
0x2a: {  	_ =	swait.ge [sflag:s16], $0x4000  }
0x2b: {  	[sflag:s16] =	ssyncset.done $0x0  }
0x2c: {  	[sflag:s16] =	ssyncadd.s32 $0xFFFFC000  }
0x2d: {  	[spmem:s11] =	stream.linear.scatter [tilespmem:s15], [sflag:$0x2], $0x4000, $0x38;
	[tilespmem:$0x18140] =	vst v63  }
0x2e: {  	_ =	swait.ge [sflag:s16], $0x4000  }
0x2f: {  	[sflag:s16] =	ssyncset.done $0x0  }
0x30: {  	[sflag:s16] =	ssyncadd.s32 $0xFFFFC000  }
0x31: {  	[spmem:s12] =	stream.linear.scatter [tilespmem:s15], [sflag:$0x2], $0x4000, $0x38;
	[tilespmem:$0x18140] =	vst v63  }
0x32: {  	_ =	swait.ge [sflag:s16], $0x4000  }
0x33: {  	[sflag:s16] =	ssyncset.done $0x0  }
0x34: {  	p0 =	sle.u32 s5, $0x0;
	[sflag:s16] =	ssyncadd.s32 $0xFFFFC000  }
0x35: {  	s17 =	simm.s32 @!p0 $0x0;
	s18 =	simm.s32 @!p0 $0x3;
	[bflag:$0x0] =	sbarrier.arrive $0xFFFF  }
0x36: {  	[tilespmem:s17], [sflag:$0x3] =	stream.linear.gather @!p0 [hbm4b:s14+s17], $0x80, $0x38;
	[tilespmem:$0x18140] =	vst v63  }
0x37: {  	_ =	swait.ge @!p0 [sflag:s18], $0x80  }
0x38: {  	[sflag:s18] =	ssyncset.done @!p0 $0x0;
	p0 =	por p0, p0  }
0x39: {  	[sflag:s18] =	ssyncadd.s32 @!p0 $0xFFFFFF80;
	s19 =	simm.s32 @!p0 $0x80  }
0x3a: {  	[tilespmem:s19], [sflag:$0x3] =	stream.linear.gather @!p0 [hbm4b:s13+s17], $0x80, $0x38;
	[tilespmem:$0x18140] =	vst v63  }
0x3b: {  	_ =	swait.ge @!p0 [sflag:s18], $0x80  }
0x3c: {  	[sflag:s18] =	ssyncset.done @!p0 $0x0  }
0x3d: {  	s20 =	simm.s32 @!p0 $0x1;
	[sflag:s18] =	ssyncadd.s32 @!p0 $0xFFFFFF80;
	s18 =	simm.s32 @!p0 $0x100  }
0x3e: {  	[tilespmem:s18], [sflag:$0x1] =	stream.indirect.gather @!p0 [hbm4b:s4+s19], $0x80, s17, s19, $0xb8;
	[tilespmem:$0x18140] =	vst v63  }
0x3f: {  	_ =	swait.ge @!p0 [sflag:s20], $0x4000  }
0x40: {  	[sflag:s20] =	ssyncset.done @!p0 $0x0  }
0x41: {  	[sflag:s20] =	ssyncadd.s32 @!p0 $0xFFFFC000;
	s20 =	simm.s32 @!p0 $0x2  }
0x42: {  	[spmem:s2] =	stream.indirect.scatter.add.f32 @!p0 [tilespmem:s18], [sflag:$0x2], $0x80, s19, s19, $0xb8;
	[tilespmem:$0x18140] =	vst v63  }
0x43: {  	p2 =	sle.u32 s5, $0x1;
	s17 =	sadd.s32 $0x10, s13;
	_ =	swait.ge @!p0 [sflag:s20], $0x4000  }
0x44: {  	s19 =	simm.s32 $0x2;
	s18 =	sadd.s32 $0x10, s14;
	[sflag:s20] =	ssyncset.done @!p0 $0x0  }
.LBB2_4:
0x45: {  	s21 =	simm.s32 @!p2 $0x0;
	s22 =	simm.s32 @!p2 $0x3;
	[sflag:s20] =	ssyncadd.s32 @!p0 $0xFFFFC000  }
0x46: {  	[tilespmem:s21], [sflag:$0x3] =	stream.linear.gather @!p2 [hbm4b:s18+s21], $0x80, $0x38;
	[tilespmem:$0x18140] =	vst v63  }
0x47: {  	s23 =	smov.u32 s19;
	s19 =	sadd.s32 $0x1, s19;
	_ =	swait.ge @!p2 [sflag:s22], $0x80  }
0x48: {  	p0 =	por p2, p2;
	p1 =	sne.s32 s19, $0x57;
	[sflag:s22] =	ssyncset.done @!p2 $0x0  }
0x49: {  	s24 =	simm.s32 @!p0 $0x80;
	[sflag:s22] =	ssyncadd.s32 @!p0 $0xFFFFFF80  }
0x4a: {  	[tilespmem:s24], [sflag:$0x3] =	stream.linear.gather @!p0 [hbm4b:s17+s21], $0x80, $0x38;
	[tilespmem:$0x18140] =	vst v63  }
0x4b: {  	_ =	swait.ge @!p0 [sflag:s22], $0x80  }
0x4c: {  	[sflag:s22] =	ssyncset.done @!p0 $0x0  }
0x4d: {  	s20 =	simm.s32 @!p0 $0x1;
	[sflag:s22] =	ssyncadd.s32 @!p0 $0xFFFFFF80;
	s22 =	simm.s32 @!p0 $0x100  }
0x4e: {  	[tilespmem:s22], [sflag:$0x1] =	stream.indirect.gather @!p0 [hbm4b:s4+s24], $0x80, s21, s24, $0xb8;
	[tilespmem:$0x18140] =	vst v63  }
0x4f: {  	_ =	swait.ge @!p0 [sflag:s20], $0x4000  }
.Ltmp1:
0x50: {  	[sflag:s20] =	ssyncset.done @!p0 $0x0;
	(pc) =	sbr.rel @p1 .LBB2_4-.Ltmp1, $4  }
0x51: {  	[sflag:s20] =	ssyncadd.s32 @!p0 $0xFFFFC000;
	s20 =	simm.s32 @!p0 $0x2  }
0x52: {  	[spmem:s2] =	stream.indirect.scatter.add.f32 @!p0 [tilespmem:s22], [sflag:$0x2], $0x80, s24, s24, $0xb8;
	[tilespmem:$0x18140] =	vst v63  }
0x53: {  	s18 =	sadd.s32 $0x10, s18;
	_ =	swait.ge @!p0 [sflag:s20], $0x4000  }
0x54: {  	p2 =	sge.u32 s23, s5;
	s17 =	sadd.s32 $0x10, s17;
	[sflag:s20] =	ssyncset.done @!p0 $0x0  }
0x55: {  	s19 =	simm.s32 @!p2 $0x0;
	s21 =	simm.s32 @!p2 $0x3;
	[sflag:s20] =	ssyncadd.s32 @!p0 $0xFFFFC000  }
0x56: {  	[tilespmem:s19], [sflag:$0x3] =	stream.linear.gather @!p2 [hbm4b:s18+s19], $0x80, $0x38;
	[tilespmem:$0x18140] =	vst v63  }
0x57: {  	_ =	swait.ge @!p2 [sflag:s21], $0x80  }
0x58: {  	p0 =	por p2, p2;
	[sflag:s21] =	ssyncset.done @!p2 $0x0  }
0x59: {  	s18 =	simm.s32 @!p0 $0x80;
	[sflag:s21] =	ssyncadd.s32 @!p0 $0xFFFFFF80  }
0x5a: {  	[tilespmem:s18], [sflag:$0x3] =	stream.linear.gather @!p0 [hbm4b:s17+s19], $0x80, $0x38;
	[tilespmem:$0x18140] =	vst v63  }
0x5b: {  	_ =	swait.ge @!p0 [sflag:s21], $0x80  }
0x5c: {  	[sflag:s21] =	ssyncset.done @!p0 $0x0  }
0x5d: {  	s20 =	simm.s32 @!p0 $0x1;
	s17 =	simm.s32 @!p0 $0x100;
	[sflag:s21] =	ssyncadd.s32 @!p0 $0xFFFFFF80  }
0x5e: {  	[tilespmem:s17], [sflag:$0x1] =	stream.indirect.gather @!p0 [hbm4b:s4+s18], $0x80, s19, s18, $0xb8;
	[tilespmem:$0x18140] =	vst v63  }
0x5f: {  	_ =	swait.ge @!p0 [sflag:s20], $0x4000  }
0x60: {  	[sflag:s20] =	ssyncset.done @!p0 $0x0  }
0x61: {  	s19 =	simm.s32 @!p0 $0x2;
	[sflag:s20] =	ssyncadd.s32 @!p0 $0xFFFFC000  }
0x62: {  	[spmem:s2] =	stream.indirect.scatter.add.f32 @!p0 [tilespmem:s17], [sflag:$0x2], $0x80, s18, s18, $0xb8;
	[tilespmem:$0x18140] =	vst v63  }
0x63: {  	_ =	swait.ge @!p0 [sflag:s19], $0x4000  }
0x64: {  	s30 =	sshll.u32 s1, $0x6;
	s3 =	sadd.s32 $0x1, s3;
	[sflag:s19] =	ssyncset.done @!p0 $0x0  }
0x65: {  	s31 =	sshrl.u32 s6, $0x3;
	[sflag:s19] =	ssyncadd.s32 @!p0 $0xFFFFC000;
	p0 =	sne.s32 s3, s8  }
.Ltmp2:
0x66: {  	s17 =	sor.u32 $0x1C02, s30;
	[bflag:$0x0] =	sbarrier.arrive $0xFFFF;
	(pc) =	sbr.rel @p0 .LBB2_1-.Ltmp2, $4  }
0x67: {  	[hbm:s7], [sflag:s17] =	dma.local [spmem:s31], $0x2800  }
0x68: {  	_ =	swait.ge [sflag:s16], $0x2800  }
0x69: {  	[sflag:s16] =	ssyncset.done $0x0  }
0x6a: {  	[sflag:s16] =	ssyncadd.s32 $0xFFFFD800  }
0x6b: {  	_ =	sfence.sel $0x180000  }
0x6c: {  	[bflag:$0x0] =	sbarrier.arrive $0xFFFF  }
0x6d: {  	p0 =	sne.s32 s1, $0x0;
	_ =	strace $0x9000004D  }
0x6e: {  	s0 =	sadd.s32 @!p0 $0x100000, s0;
	[bflag:$0x2] =	sbarrier.arrive $0xFFFF  }
0x6f: {  	[sflag:s0] =	ssyncadd.tile.s32 @!p0 $0x1;
	_ =	shalt  }
.Lfunc_end2:
_tile_overlayer_lowered:
.L_overlay_start_2:
0x70: {  	(tag) =	ssettag $0x2  }
0x71: {  	s0 =	rddreg [dreg:$0x0];
	s2 =	stileid.u32  }
0x72: {  	s1 =	rddreg [dreg:$0x1];
	p0 =	sne.s32 s2, $0x0  }
0x73: {  	s3 =	rddreg [dreg:$0x2];
	[bflag:$0x3] =	sbarrier.arrive $0xFFFF;
	s2 =	simm.s32 @!p0 $0x1C02  }
0x74: {  	[timem:s3], [sflag:s2] =	dma.local @!p0 [hbm:s0], s1  }
0x75: {  	s0 =	simm.s32 @!p0 $0x2  }
0x76: {  	_ =	swait.ge @!p0 [sflag:s0], s1  }
0x77: {  	s1 =	ssub.s32 @!p0 $0x0, s1;
	[sflag:s0] =	ssyncset.done @!p0 $0x0  }
0x78: {  	[sflag:s0] =	ssyncadd.s32 @!p0 s1  }
0x79: {  	[bflag:$0x3] =	sbarrier.arrive $0xFFFF  }
0x7a: {  	_ =	shalt  }

// kernel: kernel.19.cloned.1.call-start
scs
__scs_entry_jumppad:
0x0: {  	(pc) =	sbr.rel $0x88, $3  }
0x1: {  	(tag) =	ssettag $0x0;
	lr =	simm.s32 $0x1  }
0x2: {  	[smem:$0x3F88] =	sst lr;
	_ =	strace $0xD0000000  }
0x3: {  	_ = 	snop  }
0x4: {  	_ = 	snop  }
0x5: {  	_ = 	snop  }
0x6: {  	_ = 	snop  }
0x7: {  	_ = 	snop  }
__scs_overlays_trampoline_lowered:
0x8: {  	[smem:$0x3F97] =	sst s0  }
0x9: {  	[smem:$0x3F98] =	sst s1  }
0xa: {  	[smem:$0x3F99] =	sst s2  }
0xb: {  	[smem:$0x3F9A] =	sst s3  }
0xc: {  	[smem:$0x3F9B] =	sst s4  }
0xd: {  	[smem:$0x3F9C] =	sst s5  }
0xe: {  	[smem:$0x3F9D] =	sst s6  }
0xf: {  	[smem:$0x3F9E] =	sst s7  }
0x10: {  	[smem:$0x3F9F] =	sst s8  }
0x11: {  	[smem:$0x3FA0] =	sst s9;
	s0 =	simm.s32 @!p0 $0x0  }
0x12: {  	s1 =	sld [smem:$0x3F86];
	s0 =	simm.s32 @p0 $0x1  }
0x13: {  	[smem:$0x3FA1] =	sst s0;
	s0 =	simm.s32 @!p1 $0x0  }
0x14: {  	s2 =	sld [smem:$0x3F85];
	s0 =	simm.s32 @p1 $0x1  }
0x15: {  	[smem:$0x3FA2] =	sst s0;
	s0 =	simm.s32 @!p2 $0x0  }
0x16: {  	s3 =	sld [smem:$0x3FDB];
	s0 =	simm.s32 @p2 $0x1  }
0x17: {  	s4 =	simm.s32 $0x1BF5;
	[smem:$0x3FA4] =	sst s0  }
0x18: {  	s0 =	sld [smem:$0x3F87];
	_ =	swait.ge [sflag:s4], $0x0  }
0x19: {  	s7 =	sld [smem:$0x3F88]  }
0x1a: {  	s8 =	sadd.s32 $0xFFFFE003, lr  }
0x1b: {  	s9 =	sadd.s32 $0xFFFFFEF7, lr;
	s5 =	simm.s32 $0xFFFFFFFF;
	p2 =	slt.u32 s8, $0xFFFFF086  }
0x1c: {  	p1 =	slt.u32 s9, $0xF7A;
	s5 =	simm.s32 @!p2 $0x0  }
0x1d: {  	s5 =	simm.s32 @p1 $0x1;
	p0 =	seq.s32 s7, s2  }
0x1e: {  	s7 =	smul.u32 @!p0 $0xF7A, s2;
	p2 =	seq.s32 @!p0 s5, $0x0  }
0x1f: {  	s9 =	smul.u32 $0xF7A, s1;
	s8 =	simm.s32 @!p0 $0x1BF5;
	p2 =	por !p2, p0  }
0x20: {  	[sflag:s8] =	ssyncset.s32 @!p0 $0xFFFFF086;
	s6 =	sadd.s32 @!p0 s3, s7;
	s7 =	simm.s32 @!p0 $0x108  }
0x21: {  	s3 =	sadd.s32 s3, s9;
	s6 =	sadd.s32 @!p0 $0x88, s6;
	s7 =	simm.s32 @p2 $0x1082  }
0x22: {  	[simem:s7], [sflag:s8] =	dma.local @!p0 [hbm:s6], $0xF7A  }
0x23: {  	s9 =	sor.u32 $0xD0000000, s2;
	s6 =	simm.s32 $0x108;
	_ =	swait.ge @!p0 [sflag:s8], $0x0  }
0x24: {  	s3 =	sadd.s32 $0x88, s3;
	s6 =	simm.s32 @!p1 $0x1082;
	[sflag:s4] =	ssyncset.s32 $0xFFFFF086  }
0x25: {  	[simem:s6], [sflag:s4] =	dma.local [hbm:s3], $0xF7A  }
0x26: {  	[smem:$0x3F88] =	sst s1;
	(tag) =	ssettag s2;
	_ =	strace s9  }
0x27: {  	s1 =	sld [smem:$0x3F98]  }
0x28: {  	s2 =	sld [smem:$0x3F99]  }
0x29: {  	s4 =	sld [smem:$0x3F9B]  }
0x2a: {  	p0 =	seq.s32 s5, $0x0;
	s5 =	sld [smem:$0x3F9C]  }
0x2b: {  	s6 =	sld [smem:$0x3F9D]  }
0x2c: {  	s7 =	sld [smem:$0x3F9E]  }
0x2d: {  	s3 =	simm.s32 $0x108;
	s8 =	sld [smem:$0x3F9F]  }
0x2e: {  	s3 =	simm.s32 @!p0 $0x1082;
	s9 =	sld [smem:$0x3FA0]  }
0x2f: {  	lr =	sadd.s32 s0, s3;
	s0 =	sld [smem:$0x3F97]  }
0x30: {  	s3 =	sld [smem:$0x3F9A]  }
0x31: {  	[smem:$0x3FA3] =	sst s10  }
0x32: {  	s10 =	sld [smem:$0x3FA1];
	_ =	sdelay $0x3  }
0x33: {  	p0 =	seq.s32 s10, $0x1;
	s10 =	sld [smem:$0x3FA3];
	_ =	sdelay $0x3  }
0x34: {  	[smem:$0x3FA3] =	sst s10  }
0x35: {  	s10 =	sld [smem:$0x3FA2];
	_ =	sdelay $0x3  }
0x36: {  	p1 =	seq.s32 s10, $0x1;
	s10 =	sld [smem:$0x3FA3];
	_ =	sdelay $0x3  }
0x37: {  	[smem:$0x3FA3] =	sst s10  }
0x38: {  	s10 =	sld [smem:$0x3FA4]  }
0x39: {  	_ = 	snop;
	(pc) =	sbr.ind lr, $3  }
0x3a: {  	_ = 	snop  }
0x3b: {  	_ = 	snop  }
0x3c: {  	p2 =	seq.s32 s10, $0x1;
	s10 =	sld [smem:$0x3FA3]  }
0x3d: {  	_ =	shalt  }
0x3e: {  	_ =	shalt  }
0x3f: {  	_ =	shalt  }
0x40: {  	_ =	shalt  }
0x41: {  	_ =	shalt  }
0x42: {  	_ =	shalt  }
0x43: {  	_ =	shalt  }
0x44: {  	_ =	shalt  }
0x45: {  	_ =	shalt  }
0x46: {  	_ =	shalt  }
0x47: {  	_ =	shalt  }
0x48: {  	_ =	shalt  }
0x49: {  	_ =	shalt  }
0x4a: {  	_ =	shalt  }
0x4b: {  	_ =	shalt  }
0x4c: {  	_ =	shalt  }
0x4d: {  	_ =	shalt  }
0x4e: {  	_ =	shalt  }
0x4f: {  	_ =	shalt  }
0x50: {  	_ =	shalt  }
0x51: {  	_ =	shalt  }
0x52: {  	_ =	shalt  }
0x53: {  	_ =	shalt  }
0x54: {  	_ =	shalt  }
0x55: {  	_ =	shalt  }
0x56: {  	_ =	shalt  }
0x57: {  	_ =	shalt  }
0x58: {  	_ =	shalt  }
0x59: {  	_ =	shalt  }
0x5a: {  	_ =	shalt  }
0x5b: {  	_ =	shalt  }
0x5c: {  	_ =	shalt  }
0x5d: {  	_ =	shalt  }
0x5e: {  	_ =	shalt  }
0x5f: {  	_ =	shalt  }
0x60: {  	_ =	shalt  }
0x61: {  	_ =	shalt  }
0x62: {  	_ =	shalt  }
0x63: {  	_ =	shalt  }
0x64: {  	_ =	shalt  }
0x65: {  	_ =	shalt  }
0x66: {  	_ =	shalt  }
0x67: {  	_ =	shalt  }
0x68: {  	_ =	shalt  }
0x69: {  	_ =	shalt  }
0x6a: {  	_ =	shalt  }
0x6b: {  	_ =	shalt  }
0x6c: {  	_ =	shalt  }
0x6d: {  	_ =	shalt  }
0x6e: {  	_ =	shalt  }
0x6f: {  	_ =	shalt  }
0x70: {  	_ =	shalt  }
0x71: {  	_ =	shalt  }
0x72: {  	_ =	shalt  }
0x73: {  	_ =	shalt  }
0x74: {  	_ =	shalt  }
0x75: {  	_ =	shalt  }
0x76: {  	_ =	shalt  }
0x77: {  	_ =	shalt  }
0x78: {  	_ =	shalt  }
0x79: {  	_ =	shalt  }
0x7a: {  	_ =	shalt  }
0x7b: {  	_ =	shalt  }
0x7c: {  	_ =	shalt  }
0x7d: {  	_ =	shalt  }
0x7e: {  	_ =	shalt  }
0x7f: {  	_ =	shalt  }
0x80: {  	_ =	shalt  }
0x81: {  	_ =	shalt  }
0x82: {  	_ =	shalt  }
0x83: {  	_ =	shalt  }
0x84: {  	_ =	shalt  }
0x85: {  	_ =	shalt  }
0x86: {  	_ =	shalt  }
0x87: {  	_ =	shalt  }
.Lfunc_end0:
.L_simem_size_0:
called_computation.3_lowered:
.L_overlay_start_0:
0x88: {  	s2 =	sld [smem:$0x3FD9]  }
0x89: {  	s3 =	sld [smem:$0x3FFE];
	_ =	sdelay $0x1  }
0x8a: {  	s1 =	srdreg.scid  }
0x8b: {  	s0 =	sand.u32 $0x1, s1  }
0x8c: {  	s16 =	sshll.u32 s0, $0xA;
	s2 =	sadd.s32 s3, s2  }
0x8d: {  	s2 =	sadd.s32 s2, s16  }
0x8e: {  	[smem:$0x3FAF] =	sst s2  }
0x8f: {  	_ = 	snop  }
0x90: {  	(tm) =	ssettm $0x1  }
0x91: {  	s17 =	sld [smem:$0x3FFB];
	_ =	sdelay $0x3  }
0x92: {  	_ =	strace s17  }
0x93: {  	s2 =	sld [smem:$0x3FFC];
	_ =	sdelay $0x3  }
0x94: {  	_ =	strace s2  }
0x95: {  	s2 =	sld [smem:$0x3FFD];
	_ =	sdelay $0x3  }
0x96: {  	_ =	strace s2  }
0x97: {  	_ =	strace $0x8FFFFFFF  }
0x98: {  	s18 =	sld [smem:$0x3FDB];
	_ =	sdelay $0x1  }
0x99: {  	s19 =	simm.s32 $_scs_section_size  }
0x9a: {  	s4 =	simm.s32 $_size__tile_overlayer_lowered;
	s5 =	simm.s32 $_tile_overlayer_lowered  }
0x9b: {  	s22 =	simm.s32 $0x1BFF;
	s21 =	sshll.u32 s5, $0x1;
	s2 =	sadd.s32 s19, s18  }
0x9c: {  	s6 =	simm.s32 $0x0;
	s20 =	sshll.u32 s4, $0x1;
	s4 =	sadd.s32 s21, s2  }
0x9d: {  	[timem:s6], [sflag:s22] =	dma.local [hbm:s4], s20  }
0x9e: {  	_ =	swait.ge [sflag:s22], s20  }
0x9f: {  	s3 =	ssub.s32 $0x0, s20;
	[sflag:s22] =	ssyncset.done $0x0  }
0xa0: {  	[sflag:s22] =	ssyncadd.s32 s3;
	_ =	sdelay $0x1  }
0xa1: {  	s23 =	simm.s32 $0x1B8B  }
0xa2: {  	_ =	swait.ge [sflag:s23], $0x1  }
0xa3: {  	[sflag:s23] =	ssyncset.done $0x0  }
0xa4: {  	s25 =	simm.s32 $0x1B8E;
	s24 =	sld [smem:$0x3FFE];
	[sflag:s23] =	ssyncadd.s32 $0xFFFFFFFF  }
0xa5: {  	s26 =	simm.s32 $execute0_lowered;
	[smem:$0x3FD2] =	sst s25  }
0xa6: {  	s4 =	sshll.u32 s26, $0x1;
	_ =	strace $0x8000004F;
	[dreg:$0x1] =	wrdreg $0xFFFFFFFF  }
0xa7: {  	s28 =	simm.s32 $_size_execute0_lowered;
	s2 =	sadd.s32 s2, s4;
	[dreg:$0x0] =	wrdreg $0x0  }
0xa8: {  	s4 =	sshll.u32 s28, $0x1;
	[dreg:$0x2] =	wrdreg s2  }
0xa9: {  	[dreg:$0x3] =	wrdreg s4  }
0xaa: {  	[dreg:$0x4] =	wrdreg $0xC0  }
0xab: {  	_ =	task [dreg:s6], $0x5FFFF  }
0xac: {  	[dreg:$0x1] =	wrdreg $0xFFFFFFFF  }
0xad: {  	[dreg:$0x0] =	wrdreg $0x60  }
0xae: {  	[dreg:$0x2] =	wrdreg s24  }
0xaf: {  	[dreg:$0x3] =	wrdreg $0x20800  }
0xb0: {  	[dreg:$0x4] =	wrdreg $0x9  }
0xb1: {  	_ =	task.clear_ibuf [dreg:s6], $0x5FFFF;
	_ =	strace $0x9000004F  }
0xb2: {  	s29 =	simm.s32 $0x9;
	_ =	strace $0x80000051  }
0xb3: {  	_ =	swait.ge [sflag:s29], $0x1  }
0xb4: {  	[sflag:s29] =	ssyncadd.s32 $0xFFFFFFFF  }
0xb5: {  	_ =	strace $0x90000051  }
0xb6: {  	_ =	sfence  }
0xb7: {  	s30 =	sld [smem:$0x0];
	_ =	sdelay $0x2  }
0xb8: {  	s31 =	sshll.u32 s1, $0xD;
	s1 =	sshrl.u32 s1, $0x2  }
0xb9: {  	s3 =	sand.u32 $0x4000, s31;
	s1 =	sadd.s32 s1, s30  }
0xba: {  	s0 =	sor.u32 s3, s0;
	s1 =	sshll.u32 s1, $0x11  }
0xbb: {  	s0 =	sor.u32 s1, s0  }
0xbc: {  	s0 =	sadd.s32 $0x8F2B, s0  }
0xbd: {  	[sflag:s0] =	ssyncadd.remote.s32 $0x1  }
0xbe: {  	_ =	sfence.sel $0xFFFF  }
0xbf: {  	[dreg:$0x0] =	wrdreg $0xFFFFFFFF;
	(pc) =	sbr.abs _section_cstart, $3  }
0xc0: {  	[dreg:$0x1] =	wrdreg $0xFFFFFFFF  }
0xc1: {  	_ =	task.clear_ibuf [dreg:s6], $0x2FFFF;
	_ =	strace $0x9FFFFFFF  }
0xc2: {  	(tm) =	ssettm $0x7FFFFFFF  }
0xc3: {  	_ =	shalt  }
tec
execute0_lowered:
.L_overlay_start_1:
0x0: {  	(tag) =	ssettag $0x1  }
0x1: {  	s18 =	rddreg [dreg:$0x0]  }
0x2: {  	s1 =	rddreg [dreg:$0x1];
	s2 =	simm.s32 $0x0  }
0x3: {  	v0 =	vimm.f32 $0.0e+00;
	[smem:$0x7FF] =	sst s2  }
0x4: {  	s0 =	rddreg [dreg:$0x2];
	_ =	strace $0x80000050;
	[tilespmem:$0xA0] =	vst v0  }
0x5: {  	[tilespmem:$0xB0] =	vst v0  }
0x6: {  	[tilespmem:$0xC0] =	vst v0  }
0x7: {  	[tilespmem:$0xD0] =	vst v0  }
0x8: {  	[tilespmem:$0xE0] =	vst v0  }
0x9: {  	[tilespmem:$0xF0] =	vst v0  }
0xa: {  	[tilespmem:$0x100] =	vst v0  }
0xb: {  	[tilespmem:$0x110] =	vst v0  }
0xc: {  	[tilespmem:$0x120] =	vst v0  }
0xd: {  	[tilespmem:$0x130] =	vst v0  }
0xe: {  	[tilespmem:$0x140] =	vst v0  }
0xf: {  	[tilespmem:$0x150] =	vst v0  }
0x10: {  	[tilespmem:$0x160] =	vst v0  }
0x11: {  	[tilespmem:$0x170] =	vst v0  }
0x12: {  	[tilespmem:$0x180] =	vst v0  }
0x13: {  	[tilespmem:$0x190] =	vst v0  }
0x14: {  	[tilespmem:$0x1A0] =	vst v0  }
0x15: {  	[tilespmem:$0x1B0] =	vst v0  }
0x16: {  	[tilespmem:$0x1C0] =	vst v0  }
0x17: {  	[tilespmem:$0x1D0] =	vst v0  }
0x18: {  	[tilespmem:$0x1E0] =	vst v0  }
0x19: {  	[tilespmem:$0x1F0] =	vst v0  }
0x1a: {  	[tilespmem:$0x200] =	vst v0  }
0x1b: {  	[tilespmem:$0x210] =	vst v0  }
0x1c: {  	[tilespmem:$0x220] =	vst v0  }
0x1d: {  	[tilespmem:$0x230] =	vst v0  }
0x1e: {  	[tilespmem:$0x240] =	vst v0  }
0x1f: {  	[tilespmem:$0x250] =	vst v0  }
0x20: {  	[tilespmem:$0x260] =	vst v0  }
0x21: {  	[tilespmem:$0x270] =	vst v0  }
0x22: {  	[tilespmem:$0x280] =	vst v0  }
0x23: {  	[tilespmem:$0x80] =	vst v0  }
0x24: {  	[tilespmem:$0x470] =	vst v0  }
0x25: {  	[tilespmem:$0x460] =	vst v0  }
0x26: {  	[tilespmem:$0x450] =	vst v0  }
0x27: {  	[tilespmem:$0x440] =	vst v0  }
0x28: {  	[tilespmem:$0x430] =	vst v0  }
0x29: {  	[tilespmem:$0x420] =	vst v0  }
0x2a: {  	[tilespmem:$0x410] =	vst v0  }
0x2b: {  	[tilespmem:$0x400] =	vst v0  }
0x2c: {  	[tilespmem:$0x3F0] =	vst v0  }
0x2d: {  	[tilespmem:$0x3E0] =	vst v0  }
0x2e: {  	[tilespmem:$0x3D0] =	vst v0  }
0x2f: {  	[tilespmem:$0x3C0] =	vst v0  }
0x30: {  	[tilespmem:$0x3B0] =	vst v0  }
0x31: {  	[tilespmem:$0x3A0] =	vst v0  }
0x32: {  	[tilespmem:$0x390] =	vst v0  }
0x33: {  	[tilespmem:$0x380] =	vst v0  }
0x34: {  	[tilespmem:$0x370] =	vst v0  }
0x35: {  	[tilespmem:$0x360] =	vst v0  }
0x36: {  	[tilespmem:$0x350] =	vst v0  }
0x37: {  	[tilespmem:$0x340] =	vst v0  }
0x38: {  	[tilespmem:$0x330] =	vst v0  }
0x39: {  	[tilespmem:$0x320] =	vst v0  }
0x3a: {  	[tilespmem:$0x310] =	vst v0  }
0x3b: {  	[tilespmem:$0x300] =	vst v0  }
0x3c: {  	[tilespmem:$0x2F0] =	vst v0  }
0x3d: {  	[tilespmem:$0x2E0] =	vst v0  }
0x3e: {  	[tilespmem:$0x2D0] =	vst v0  }
0x3f: {  	[tilespmem:$0x2C0] =	vst v0  }
0x40: {  	[tilespmem:$0x2B0] =	vst v0  }
0x41: {  	s4 =	srdreg.scid;
	s3 =	stileid.u32;
	[tilespmem:$0x2A0] =	vst v0  }
0x42: {  	s6 =	simm.s32 $0x80;
	s19 =	sand.u32 $0x1, s4;
	s24 =	sshll.u32 s3, $0xA;
	[tilespmem:$0x290] =	vst v0  }
0x43: {  	s5 =	simm.s32 $0x1;
	s7 =	sshll.u32 s19, $0x4;
	s4 =	sadd.s32 s24, s1;
	[tilespmem:$0x90] =	vst v0  }
0x44: {  	[spmem:s4] =	stream.linear.scatter [tilespmem:s6], [sflag:$0x1], $0x400, $0x38;
	[tilespmem:$0x24C0] =	vst v63  }
0x45: {  	s7 =	sor.u32 s3, s7;
	_ =	swait.ge [sflag:s5], $0x400  }
0x46: {  	s8 =	smul.u32 $0x1400, s7;
	[sflag:s5] =	ssyncset.done $0x0  }
0x47: {  	s16 =	sadd.s32 $0x5200, s18;
	[sflag:s5] =	ssyncadd.s32 $0xFFFFFC00  }
0x48: {  	s20 =	smul.u32 $0x140, s7;
	s7 =	sadd.s32 s16, s8;
	[bflag:$0x0] =	sbarrier.arrive $0xFFFF  }
0x49: {  	[tilespmem:s6], [sflag:$0x1] =	stream.linear.gather [hbm4b:s7+s2], $0x2000, $0x38;
	[tilespmem:$0x24C0] =	vst v63  }
0x4a: {  	_ =	swait.ge [sflag:s5], $0x2000  }
0x4b: {  	s17 =	sadd.s32 $0x90E00, s18;
	s25 =	sshrl.u32 s20, $0x3;
	[sflag:s5] =	ssyncset.done $0x0  }
0x4c: {  	s8 =	sadd.s32 s17, s25;
	[sflag:s5] =	ssyncadd.s32 $0xFFFFE000  }
0x4d: {  	[tilespmem:s2], [sflag:$0x1] =	stream.linear.gather [hbm4b:s8+s2], $0x40, $0x38;
	[tilespmem:$0x24C0] =	vst v63  }
0x4e: {  	_ =	swait.ge [sflag:s5], $0x40  }
0x4f: {  	[sflag:s5] =	ssyncset.done $0x0  }
0x50: {  	s9 =	simm.s32 $0x40;
	[sflag:s5] =	ssyncadd.s32 $0xFFFFFFC0  }
0x51: {  	[spmem:s1] =	stream.indirect.scatter.add.f32 [tilespmem:s6], [sflag:$0x1], $0x80, s2, s9, $0xb8;
	[tilespmem:$0x24C0] =	vst v63  }
0x52: {  	s11 =	sadd.s32 $0x40, s20;
	_ =	swait.ge [sflag:s5], $0x2000  }
0x53: {  	s10 =	sshll.u32 s11, $0x4;
	[sflag:s5] =	ssyncset.done $0x0  }
0x54: {  	s10 =	sadd.s32 s16, s10;
	[sflag:s5] =	ssyncadd.s32 $0xFFFFE000  }
0x55: {  	[tilespmem:s6], [sflag:$0x1] =	stream.linear.gather [hbm4b:s10+s2], $0x2000, $0x38;
	[tilespmem:$0x24C0] =	vst v63  }
0x56: {  	_ =	swait.ge [sflag:s5], $0x2000  }
0x57: {  	s11 =	sshrl.u32 s11, $0x3;
	[sflag:s5] =	ssyncset.done $0x0  }
0x58: {  	s11 =	sadd.s32 s17, s11;
	[sflag:s5] =	ssyncadd.s32 $0xFFFFE000  }
0x59: {  	[tilespmem:s2], [sflag:$0x1] =	stream.linear.gather [hbm4b:s11+s2], $0x40, $0x38;
	[tilespmem:$0x24C0] =	vst v63  }
0x5a: {  	_ =	swait.ge [sflag:s5], $0x40  }
0x5b: {  	[sflag:s5] =	ssyncset.done $0x0  }
0x5c: {  	[sflag:s5] =	ssyncadd.s32 $0xFFFFFFC0  }
0x5d: {  	[spmem:s1] =	stream.indirect.scatter.add.f32 [tilespmem:s6], [sflag:$0x1], $0x80, s2, s9, $0xb8;
	[tilespmem:$0x24C0] =	vst v63  }
0x5e: {  	s13 =	sadd.s32 $0x80, s20;
	_ =	swait.ge [sflag:s5], $0x2000  }
0x5f: {  	s12 =	sshll.u32 s13, $0x4;
	[sflag:s5] =	ssyncset.done $0x0  }
0x60: {  	s12 =	sadd.s32 s16, s12;
	[sflag:s5] =	ssyncadd.s32 $0xFFFFE000  }
0x61: {  	[tilespmem:s6], [sflag:$0x1] =	stream.linear.gather [hbm4b:s12+s2], $0x2000, $0x38;
	[tilespmem:$0x24C0] =	vst v63  }
0x62: {  	_ =	swait.ge [sflag:s5], $0x2000  }
0x63: {  	s13 =	sshrl.u32 s13, $0x3;
	[sflag:s5] =	ssyncset.done $0x0  }
0x64: {  	s13 =	sadd.s32 s17, s13;
	[sflag:s5] =	ssyncadd.s32 $0xFFFFE000  }
0x65: {  	[tilespmem:s2], [sflag:$0x1] =	stream.linear.gather [hbm4b:s13+s2], $0x40, $0x38;
	[tilespmem:$0x24C0] =	vst v63  }
0x66: {  	_ =	swait.ge [sflag:s5], $0x40  }
0x67: {  	[sflag:s5] =	ssyncset.done $0x0  }
0x68: {  	[sflag:s5] =	ssyncadd.s32 $0xFFFFFFC0  }
0x69: {  	[spmem:s1] =	stream.indirect.scatter.add.f32 [tilespmem:s6], [sflag:$0x1], $0x80, s2, s9, $0xb8;
	[tilespmem:$0x24C0] =	vst v63  }
0x6a: {  	s15 =	sadd.s32 $0xC0, s20;
	_ =	swait.ge [sflag:s5], $0x2000  }
0x6b: {  	s14 =	sshll.u32 s15, $0x4;
	[sflag:s5] =	ssyncset.done $0x0  }
0x6c: {  	s14 =	sadd.s32 s16, s14;
	[sflag:s5] =	ssyncadd.s32 $0xFFFFE000  }
0x6d: {  	[tilespmem:s6], [sflag:$0x1] =	stream.linear.gather [hbm4b:s14+s2], $0x2000, $0x38;
	[tilespmem:$0x24C0] =	vst v63  }
0x6e: {  	_ =	swait.ge [sflag:s5], $0x2000  }
0x6f: {  	s15 =	sshrl.u32 s15, $0x3;
	[sflag:s5] =	ssyncset.done $0x0  }
0x70: {  	s15 =	sadd.s32 s17, s15;
	[sflag:s5] =	ssyncadd.s32 $0xFFFFE000  }
0x71: {  	[tilespmem:s2], [sflag:$0x1] =	stream.linear.gather [hbm4b:s15+s2], $0x40, $0x38;
	[tilespmem:$0x24C0] =	vst v63  }
0x72: {  	_ =	swait.ge [sflag:s5], $0x40  }
0x73: {  	[sflag:s5] =	ssyncset.done $0x0  }
0x74: {  	[sflag:s5] =	ssyncadd.s32 $0xFFFFFFC0  }
0x75: {  	[spmem:s1] =	stream.indirect.scatter.add.f32 [tilespmem:s6], [sflag:$0x1], $0x80, s2, s9, $0xb8;
	[tilespmem:$0x24C0] =	vst v63  }
0x76: {  	s20 =	sadd.s32 $0x100, s20;
	_ =	swait.ge [sflag:s5], $0x2000  }
0x77: {  	s21 =	sshll.u32 s20, $0x4;
	[sflag:s5] =	ssyncset.done $0x0  }
0x78: {  	s16 =	sadd.s32 s16, s21;
	[sflag:s5] =	ssyncadd.s32 $0xFFFFE000  }
0x79: {  	[tilespmem:s6], [sflag:$0x1] =	stream.linear.gather [hbm4b:s16+s2], $0x2000, $0x38;
	[tilespmem:$0x24C0] =	vst v63  }
0x7a: {  	_ =	swait.ge [sflag:s5], $0x2000  }
0x7b: {  	s20 =	sshrl.u32 s20, $0x3;
	[sflag:s5] =	ssyncset.done $0x0  }
0x7c: {  	s17 =	sadd.s32 s17, s20;
	[sflag:s5] =	ssyncadd.s32 $0xFFFFE000  }
0x7d: {  	[tilespmem:s2], [sflag:$0x1] =	stream.linear.gather [hbm4b:s17+s2], $0x40, $0x38;
	[tilespmem:$0x24C0] =	vst v63  }
0x7e: {  	s26 =	sshll.u32 s3, $0x7;
	s28 =	ssub.s32 $0x2, s19;
	_ =	swait.ge [sflag:s5], $0x40  }
0x7f: {  	s31 =	sshll.u32 s3, $0x6;
	s29 =	sshrl.u32 s28, $0x1;
	[sflag:s5] =	ssyncset.done $0x0  }
0x80: {  	s18 =	sadd.s32 s26, s18;
	s30 =	ssub.s32 s28, s29;
	[sflag:s5] =	ssyncadd.s32 $0xFFFFFFC0  }
0x81: {  	[spmem:s1] =	stream.indirect.scatter.add.f32 [tilespmem:s6], [sflag:$0x1], $0x80, s2, s9, $0xb8;
	[tilespmem:$0x24C0] =	vst v63  }
0x82: {  	s19 =	sshll.u32 s19, $0xB;
	s21 =	smax.u32 s30, $0x1;
	_ =	swait.ge [sflag:s5], $0x2000  }
0x83: {  	s18 =	sadd.s32 s19, s18;
	p0 =	sne.s32 s21, $0x1;
	[sflag:s5] =	ssyncset.done $0x0  }
.Ltmp0:
0x84: {  	s19 =	sor.u32 $0x1C01, s31;
	[sflag:s5] =	ssyncadd.s32 $0xFFFFE000;
	(pc) =	sbr.rel @!p0 .LBB2_2-.Ltmp0, $4  }
0x85: {  	s18 =	sadd.s32 $0x2D200, s18;
	s20 =	sshrl.u32 s4, $0x3;
	[bflag:$0x0] =	sbarrier.arrive $0xFFFF  }
0x86: {  	[hbm:s18], [sflag:s19] =	dma.local [spmem:s20], $0x80  }
0x87: {  	_ =	swait.ge [sflag:s5], $0x80  }
0x88: {  	s21 =	sadd.s32 $0xFFFFFFFF, s21;
	[sflag:s5] =	ssyncset.done $0x0  }
.LBB2_1:
0x89: {  	p0 =	sne.s32 s21, $0x1;
	s21 =	sadd.s32 $0xFFFFFFFF, s21;
	[sflag:s5] =	ssyncadd.s32 $0xFFFFFF80  }
0x8a: {  	[tilespmem:$0xA0] =	vst v0  }
0x8b: {  	[tilespmem:$0xB0] =	vst v0  }
0x8c: {  	[tilespmem:$0xC0] =	vst v0  }
0x8d: {  	[tilespmem:$0xD0] =	vst v0  }
0x8e: {  	[tilespmem:$0xE0] =	vst v0  }
0x8f: {  	[tilespmem:$0xF0] =	vst v0  }
0x90: {  	[tilespmem:$0x100] =	vst v0  }
0x91: {  	[tilespmem:$0x110] =	vst v0  }
0x92: {  	[tilespmem:$0x120] =	vst v0  }
0x93: {  	[tilespmem:$0x130] =	vst v0  }
0x94: {  	[tilespmem:$0x140] =	vst v0  }
0x95: {  	[tilespmem:$0x150] =	vst v0  }
0x96: {  	[tilespmem:$0x160] =	vst v0  }
0x97: {  	[tilespmem:$0x170] =	vst v0  }
0x98: {  	[tilespmem:$0x180] =	vst v0  }
0x99: {  	[tilespmem:$0x190] =	vst v0  }
0x9a: {  	[tilespmem:$0x1A0] =	vst v0  }
0x9b: {  	[tilespmem:$0x1B0] =	vst v0  }
0x9c: {  	[tilespmem:$0x1C0] =	vst v0  }
0x9d: {  	[tilespmem:$0x1D0] =	vst v0  }
0x9e: {  	[tilespmem:$0x1E0] =	vst v0  }
0x9f: {  	[tilespmem:$0x1F0] =	vst v0  }
0xa0: {  	[tilespmem:$0x200] =	vst v0  }
0xa1: {  	[tilespmem:$0x210] =	vst v0  }
0xa2: {  	[tilespmem:$0x220] =	vst v0  }
0xa3: {  	[tilespmem:$0x230] =	vst v0  }
0xa4: {  	[tilespmem:$0x240] =	vst v0  }
0xa5: {  	[tilespmem:$0x250] =	vst v0  }
0xa6: {  	[tilespmem:$0x260] =	vst v0  }
0xa7: {  	[tilespmem:$0x270] =	vst v0  }
0xa8: {  	[tilespmem:$0x280] =	vst v0  }
0xa9: {  	[tilespmem:$0x80] =	vst v0  }
0xaa: {  	[tilespmem:$0x470] =	vst v0  }
0xab: {  	[tilespmem:$0x460] =	vst v0  }
0xac: {  	[tilespmem:$0x450] =	vst v0  }
0xad: {  	[tilespmem:$0x440] =	vst v0  }
0xae: {  	[tilespmem:$0x430] =	vst v0  }
0xaf: {  	[tilespmem:$0x420] =	vst v0  }
0xb0: {  	[tilespmem:$0x410] =	vst v0  }
0xb1: {  	[tilespmem:$0x400] =	vst v0  }
0xb2: {  	[tilespmem:$0x3F0] =	vst v0  }
0xb3: {  	[tilespmem:$0x3E0] =	vst v0  }
0xb4: {  	[tilespmem:$0x3D0] =	vst v0  }
0xb5: {  	[tilespmem:$0x3C0] =	vst v0  }
0xb6: {  	[tilespmem:$0x3B0] =	vst v0  }
0xb7: {  	[tilespmem:$0x3A0] =	vst v0  }
0xb8: {  	[tilespmem:$0x390] =	vst v0  }
0xb9: {  	[tilespmem:$0x380] =	vst v0  }
0xba: {  	[tilespmem:$0x370] =	vst v0  }
0xbb: {  	[tilespmem:$0x360] =	vst v0  }
0xbc: {  	[tilespmem:$0x350] =	vst v0  }
0xbd: {  	[tilespmem:$0x340] =	vst v0  }
0xbe: {  	[tilespmem:$0x330] =	vst v0  }
0xbf: {  	[tilespmem:$0x320] =	vst v0  }
0xc0: {  	[tilespmem:$0x310] =	vst v0  }
0xc1: {  	[tilespmem:$0x300] =	vst v0  }
0xc2: {  	[tilespmem:$0x2F0] =	vst v0  }
0xc3: {  	[tilespmem:$0x2E0] =	vst v0  }
0xc4: {  	[tilespmem:$0x2D0] =	vst v0  }
0xc5: {  	[tilespmem:$0x2C0] =	vst v0  }
0xc6: {  	[tilespmem:$0x2B0] =	vst v0  }
0xc7: {  	[tilespmem:$0x2A0] =	vst v0  }
0xc8: {  	[tilespmem:$0x290] =	vst v0  }
0xc9: {  	[tilespmem:$0x90] =	vst v0  }
0xca: {  	[spmem:s4] =	stream.linear.scatter [tilespmem:s6], [sflag:$0x1], $0x400, $0x38;
	[tilespmem:$0x24C0] =	vst v63  }
0xcb: {  	_ =	swait.ge [sflag:s5], $0x400  }
0xcc: {  	[sflag:s5] =	ssyncset.done $0x0  }
0xcd: {  	[sflag:s5] =	ssyncadd.s32 $0xFFFFFC00  }
0xce: {  	[bflag:$0x0] =	sbarrier.arrive $0xFFFF  }
0xcf: {  	[tilespmem:s6], [sflag:$0x1] =	stream.linear.gather [hbm4b:s7+s2], $0x2000, $0x38;
	[tilespmem:$0x24C0] =	vst v63  }
0xd0: {  	_ =	swait.ge [sflag:s5], $0x2000  }
0xd1: {  	[sflag:s5] =	ssyncset.done $0x0  }
0xd2: {  	[sflag:s5] =	ssyncadd.s32 $0xFFFFE000  }
0xd3: {  	[tilespmem:s2], [sflag:$0x1] =	stream.linear.gather [hbm4b:s8+s2], $0x40, $0x38;
	[tilespmem:$0x24C0] =	vst v63  }
0xd4: {  	_ =	swait.ge [sflag:s5], $0x40  }
0xd5: {  	[sflag:s5] =	ssyncset.done $0x0  }
0xd6: {  	[sflag:s5] =	ssyncadd.s32 $0xFFFFFFC0  }
0xd7: {  	[spmem:s1] =	stream.indirect.scatter.add.f32 [tilespmem:s6], [sflag:$0x1], $0x80, s2, s9, $0xb8;
	[tilespmem:$0x24C0] =	vst v63  }
0xd8: {  	_ =	swait.ge [sflag:s5], $0x2000  }
0xd9: {  	[sflag:s5] =	ssyncset.done $0x0  }
0xda: {  	[sflag:s5] =	ssyncadd.s32 $0xFFFFE000  }
0xdb: {  	[tilespmem:s6], [sflag:$0x1] =	stream.linear.gather [hbm4b:s10+s2], $0x2000, $0x38;
	[tilespmem:$0x24C0] =	vst v63  }
0xdc: {  	_ =	swait.ge [sflag:s5], $0x2000  }
0xdd: {  	[sflag:s5] =	ssyncset.done $0x0  }
0xde: {  	[sflag:s5] =	ssyncadd.s32 $0xFFFFE000  }
0xdf: {  	[tilespmem:s2], [sflag:$0x1] =	stream.linear.gather [hbm4b:s11+s2], $0x40, $0x38;
	[tilespmem:$0x24C0] =	vst v63  }
0xe0: {  	_ =	swait.ge [sflag:s5], $0x40  }
0xe1: {  	[sflag:s5] =	ssyncset.done $0x0  }
0xe2: {  	[sflag:s5] =	ssyncadd.s32 $0xFFFFFFC0  }
0xe3: {  	[spmem:s1] =	stream.indirect.scatter.add.f32 [tilespmem:s6], [sflag:$0x1], $0x80, s2, s9, $0xb8;
	[tilespmem:$0x24C0] =	vst v63  }
0xe4: {  	_ =	swait.ge [sflag:s5], $0x2000  }
0xe5: {  	[sflag:s5] =	ssyncset.done $0x0  }
0xe6: {  	[sflag:s5] =	ssyncadd.s32 $0xFFFFE000  }
0xe7: {  	[tilespmem:s6], [sflag:$0x1] =	stream.linear.gather [hbm4b:s12+s2], $0x2000, $0x38;
	[tilespmem:$0x24C0] =	vst v63  }
0xe8: {  	_ =	swait.ge [sflag:s5], $0x2000  }
0xe9: {  	[sflag:s5] =	ssyncset.done $0x0  }
0xea: {  	[sflag:s5] =	ssyncadd.s32 $0xFFFFE000  }
0xeb: {  	[tilespmem:s2], [sflag:$0x1] =	stream.linear.gather [hbm4b:s13+s2], $0x40, $0x38;
	[tilespmem:$0x24C0] =	vst v63  }
0xec: {  	_ =	swait.ge [sflag:s5], $0x40  }
0xed: {  	[sflag:s5] =	ssyncset.done $0x0  }
0xee: {  	[sflag:s5] =	ssyncadd.s32 $0xFFFFFFC0  }
0xef: {  	[spmem:s1] =	stream.indirect.scatter.add.f32 [tilespmem:s6], [sflag:$0x1], $0x80, s2, s9, $0xb8;
	[tilespmem:$0x24C0] =	vst v63  }
0xf0: {  	_ =	swait.ge [sflag:s5], $0x2000  }
0xf1: {  	[sflag:s5] =	ssyncset.done $0x0  }
0xf2: {  	[sflag:s5] =	ssyncadd.s32 $0xFFFFE000  }
0xf3: {  	[tilespmem:s6], [sflag:$0x1] =	stream.linear.gather [hbm4b:s14+s2], $0x2000, $0x38;
	[tilespmem:$0x24C0] =	vst v63  }
0xf4: {  	_ =	swait.ge [sflag:s5], $0x2000  }
0xf5: {  	[sflag:s5] =	ssyncset.done $0x0  }
0xf6: {  	[sflag:s5] =	ssyncadd.s32 $0xFFFFE000  }
0xf7: {  	[tilespmem:s2], [sflag:$0x1] =	stream.linear.gather [hbm4b:s15+s2], $0x40, $0x38;
	[tilespmem:$0x24C0] =	vst v63  }
0xf8: {  	_ =	swait.ge [sflag:s5], $0x40  }
0xf9: {  	[sflag:s5] =	ssyncset.done $0x0  }
0xfa: {  	[sflag:s5] =	ssyncadd.s32 $0xFFFFFFC0  }
0xfb: {  	[spmem:s1] =	stream.indirect.scatter.add.f32 [tilespmem:s6], [sflag:$0x1], $0x80, s2, s9, $0xb8;
	[tilespmem:$0x24C0] =	vst v63  }
0xfc: {  	_ =	swait.ge [sflag:s5], $0x2000  }
0xfd: {  	[sflag:s5] =	ssyncset.done $0x0  }
0xfe: {  	[sflag:s5] =	ssyncadd.s32 $0xFFFFE000  }
0xff: {  	[tilespmem:s6], [sflag:$0x1] =	stream.linear.gather [hbm4b:s16+s2], $0x2000, $0x38;
	[tilespmem:$0x24C0] =	vst v63  }
0x100: {  	_ =	swait.ge [sflag:s5], $0x2000  }
0x101: {  	[sflag:s5] =	ssyncset.done $0x0  }
0x102: {  	[sflag:s5] =	ssyncadd.s32 $0xFFFFE000  }
0x103: {  	[tilespmem:s2], [sflag:$0x1] =	stream.linear.gather [hbm4b:s17+s2], $0x40, $0x38;
	[tilespmem:$0x24C0] =	vst v63  }
0x104: {  	_ =	swait.ge [sflag:s5], $0x40  }
0x105: {  	[sflag:s5] =	ssyncset.done $0x0  }
0x106: {  	[sflag:s5] =	ssyncadd.s32 $0xFFFFFFC0  }
0x107: {  	[spmem:s1] =	stream.indirect.scatter.add.f32 [tilespmem:s6], [sflag:$0x1], $0x80, s2, s9, $0xb8;
	[tilespmem:$0x24C0] =	vst v63  }
0x108: {  	_ =	swait.ge [sflag:s5], $0x2000  }
0x109: {  	[sflag:s5] =	ssyncset.done $0x0  }
.Ltmp1:
0x10a: {  	[sflag:s5] =	ssyncadd.s32 $0xFFFFE000;
	(pc) =	sbr.rel @p0 .LBB2_1-.Ltmp1, $4  }
0x10b: {  	[bflag:$0x0] =	sbarrier.arrive $0xFFFF  }
0x10c: {  	[hbm:s18], [sflag:s19] =	dma.local [spmem:s20], $0x80  }
0x10d: {  	_ =	swait.ge [sflag:s5], $0x80  }
0x10e: {  	[sflag:s5] =	ssyncset.done $0x0  }
.LBB2_2:
0x10f: {  	[sflag:s5] =	ssyncadd.s32 $0xFFFFFF80  }
0x110: {  	_ =	sfence.sel $0x180000  }
0x111: {  	[bflag:$0x0] =	sbarrier.arrive $0xFFFF  }
0x112: {  	p0 =	sne.s32 s3, $0x0;
	_ =	strace $0x90000050  }
0x113: {  	s0 =	sadd.s32 @!p0 $0x100000, s0;
	[bflag:$0x2] =	sbarrier.arrive $0xFFFF  }
0x114: {  	[sflag:s0] =	ssyncadd.tile.s32 @!p0 $0x1;
	_ =	shalt  }
.Lfunc_end2:
_tile_overlayer_lowered:
.L_overlay_start_2:
0x115: {  	(tag) =	ssettag $0x2  }
0x116: {  	s0 =	rddreg [dreg:$0x0];
	s2 =	stileid.u32  }
0x117: {  	s1 =	rddreg [dreg:$0x1];
	p0 =	sne.s32 s2, $0x0  }
0x118: {  	s3 =	rddreg [dreg:$0x2];
	[bflag:$0x3] =	sbarrier.arrive $0xFFFF;
	s2 =	simm.s32 @!p0 $0x1C01  }
0x119: {  	[timem:s3], [sflag:s2] =	dma.local @!p0 [hbm:s0], s1  }
0x11a: {  	s0 =	simm.s32 @!p0 $0x1  }
0x11b: {  	_ =	swait.ge @!p0 [sflag:s0], s1  }
0x11c: {  	s1 =	ssub.s32 @!p0 $0x0, s1;
	[sflag:s0] =	ssyncset.done @!p0 $0x0  }
0x11d: {  	[sflag:s0] =	ssyncadd.s32 @!p0 s1  }
0x11e: {  	[bflag:$0x3] =	sbarrier.arrive $0xFFFF  }
0x11f: {  	_ =	shalt  }

</sc_bundles>
